<compile_context>
chip_gen: v7x
topology: tpu7x:2x2x1
jax: 0.10.2.dev20260603
libtpu: 0.0.44.dev20260713+nightly
codegen_flags: <defaults>
</compile_context>

<pallas_src>
import jax
import jax.numpy as jnp
import numpy as np
from jax import lax
from jax.experimental import pallas as pl
from jax.experimental.pallas import tpu as pltpu
from jax.experimental.pallas import tpu_sc as plsc

NC = 2
NS = 16
NW = NC * NS


def _make_sc_agg(n, d, nblk):
  C = 128
  G = 40
  assert nblk % G == 0 and G % 2 == 0 and n % (8 * NS) == 0
  rpt = n // NS

  mesh = plsc.VectorSubcoreMesh(
      core_axis_name="c", subcore_axis_name="s", num_cores=NC,
      num_subcores=NS)

  scratch = [
      pltpu.VMEM((G, C), jnp.int32),
      pltpu.VMEM((G, C), jnp.int32),
      pltpu.VMEM((2, C, d), jnp.float32),
      pltpu.VMEM_SHARED((n, d), jnp.float32),
      pltpu.SemaphoreType.DMA,
      pltpu.SemaphoreType.DMA,
  ]

  def body(h_hbm, src_hbm, dst_hbm, zrows_hbm, agg_out,
           sidx_v, didx_v, rows_v, agg_sh, sem0, sem1):
    c = lax.axis_index("c")
    s = lax.axis_index("s")
    w = s * NC + c
    r0 = s * rpt

    pltpu.sync_copy(zrows_hbm, agg_sh.at[pl.ds(r0, rpt)])
    plsc.subcore_barrier()

    def group(q, carry):
      pltpu.sync_copy(src_hbm.at[w, pl.ds(q * G, G)], sidx_v)
      pltpu.sync_copy(dst_hbm.at[w, pl.ds(q * G, G)], didx_v)
      pltpu.async_copy(h_hbm.at[sidx_v.at[0]], rows_v.at[0], sem0)

      def pair(j, carry2):
        i0 = 2 * j
        i1 = i0 + 1
        pltpu.make_async_copy(h_hbm.at[sidx_v.at[i0]], rows_v.at[0],
                              sem0).wait()
        pltpu.async_copy(h_hbm.at[sidx_v.at[i1]], rows_v.at[1], sem1)
        pltpu.sync_copy(rows_v.at[0], agg_sh.at[didx_v.at[i0]], add=True)
        pltpu.make_async_copy(h_hbm.at[sidx_v.at[i1]], rows_v.at[1],
                              sem1).wait()

        @pl.when(j < G // 2 - 1)
        def _():
          pltpu.async_copy(h_hbm.at[sidx_v.at[i0 + 2]], rows_v.at[0], sem0)

        pltpu.sync_copy(rows_v.at[1], agg_sh.at[didx_v.at[i1]], add=True)
        return carry2

      lax.fori_loop(0, G // 2, pair, 0)
      return carry

    lax.fori_loop(0, nblk // G, group, 0)
    plsc.subcore_barrier()

    pltpu.sync_copy(agg_sh.at[pl.ds(r0, rpt)], agg_out.at[c, pl.ds(r0, rpt)])

  return pl.kernel(body, out_type=(jax.ShapeDtypeStruct((NC, n, d),
                                                        jnp.float32),),
                   mesh=mesh, scratch_types=scratch)


def _make_sc_deg(n, d, nblk):
  C = 128
  rpt = n // NS

  mesh = plsc.VectorSubcoreMesh(
      core_axis_name="c", subcore_axis_name="s", num_cores=NC,
      num_subcores=NS)

  scratch = [
      pltpu.VMEM((nblk, C), jnp.int32),
      pltpu.VMEM((C, d), jnp.float32),
      pltpu.VMEM_SHARED((n, d), jnp.float32),
      pltpu.SemaphoreType.DMA,
  ]

  def body(dst_hbm, ones_hbm, zrows_hbm, deg_out, didx_v, ones_v, deg_sh,
           sem):
    c = lax.axis_index("c")
    s = lax.axis_index("s")
    w = s * NC + c
    r0 = s * rpt

    pltpu.sync_copy(zrows_hbm, deg_sh.at[pl.ds(r0, rpt)])
    pltpu.sync_copy(ones_hbm, ones_v)
    pltpu.sync_copy(dst_hbm.at[w], didx_v)
    plsc.subcore_barrier()

    def fire(i, carry):
      pltpu.async_copy(ones_v, deg_sh.at[didx_v.at[i]], sem, add=True)
      return carry

    lax.fori_loop(0, nblk, fire, 0)

    def drain(i, carry):
      pltpu.make_async_copy(ones_v, deg_sh.at[didx_v.at[i]], sem).wait()
      return carry

    lax.fori_loop(0, nblk, drain, 0)
    plsc.subcore_barrier()
    pltpu.sync_copy(deg_sh.at[pl.ds(r0, rpt)], deg_out.at[c, pl.ds(r0, rpt)])

  return pl.kernel(body, out_type=(jax.ShapeDtypeStruct((NC, n, d),
                                                        jnp.float32),),
                   mesh=mesh, scratch_types=scratch)


def _mm_in_body(x_ref, w_ref, o_ref):
  o_ref[...] = jnp.dot(x_ref[...], w_ref[...],
                       preferred_element_type=jnp.float32)


def _layer_body(agg_ref, deg_ref, wc_ref, wl_ref, o_ref):
  d = jnp.maximum(deg_ref[0, :, 0:1] + deg_ref[1, :, 0:1], 1.0)
  h = (agg_ref[0] + agg_ref[1]) / d
  wcl = jnp.dot(wc_ref[...], wl_ref[...], preferred_element_type=jnp.float32)
  o_ref[...] = jnp.maximum(
      jnp.dot(h, wcl, preferred_element_type=jnp.float32), 0.0)


def _final_body(agg_ref, deg_ref, x0_ref, wc_ref, wl_ref, wt_ref, o_ref):
  d = jnp.maximum(deg_ref[0, :, 0:1] + deg_ref[1, :, 0:1], 1.0)
  h = (agg_ref[0] + agg_ref[1]) / d
  wcl = jnp.dot(wc_ref[...], wl_ref[...], preferred_element_type=jnp.float32)
  h2 = jnp.maximum(jnp.dot(h, wcl, preferred_element_type=jnp.float32), 0.0)
  o_ref[...] = jnp.maximum(
      jnp.dot(x0_ref[...] + h2, wt_ref[...],
              preferred_element_type=jnp.float32), 0.0)


def kernel(x, edge_index, W_in, W_conv0, W_conv1, W_lin0, W_lin1, W_trans):
  n0, d = x.shape
  e = edge_index.shape[1]
  n = (n0 // (8 * NS) + 1) * (8 * NS)
  x = jnp.pad(x, ((0, n - n0), (0, 0)))
  bn = n // 16
  grid = (16,)

  nblk = -(-e // (NW * 128 * 2)) * 2
  epad = NW * nblk * 128 - e
  pad_ar = np.arange(epad, dtype=np.int32)
  src = jnp.concatenate(
      [edge_index[0], jnp.asarray(pad_ar % n0)]).reshape(NW, nblk, 128)
  dst = jnp.concatenate(
      [edge_index[1], jnp.asarray(n0 + pad_ar % (n - n0))]).reshape(
          NW, nblk, 128)

  xspec = pl.BlockSpec((bn, d), lambda i: (i, 0))
  wspec = pl.BlockSpec((d, d), lambda i: (0, 0))
  aspec = pl.BlockSpec((NC, bn, d), lambda i: (0, i, 0))
  dspec = pl.BlockSpec((NC, bn, d), lambda i: (0, i, 0))
  oshape = jax.ShapeDtypeStruct((n, d), jnp.float32)

  x0 = pl.pallas_call(
      _mm_in_body, grid=grid, in_specs=[xspec, wspec], out_specs=xspec,
      out_shape=oshape)(x, W_in)

  sc_agg = _make_sc_agg(n, d, nblk)
  sc_deg = _make_sc_deg(n, d, nblk)

  zrows = jnp.zeros((n // NS, d), jnp.float32)
  ones = jnp.ones((128, d), jnp.float32)

  (deg,) = sc_deg(dst, ones, zrows)
  (agg0,) = sc_agg(x0, src, dst, zrows)

  h1 = pl.pallas_call(
      _layer_body, grid=grid,
      in_specs=[aspec, dspec, wspec, wspec], out_specs=xspec,
      out_shape=oshape)(agg0, deg, W_conv0, W_lin0)

  (agg1,) = sc_agg(h1, src, dst, zrows)

  bn0 = n0 // 10
  out = pl.pallas_call(
      _final_body, grid=(10,),
      in_specs=[pl.BlockSpec((NC, bn0, d), lambda i: (0, i, 0)),
                pl.BlockSpec((NC, bn0, d), lambda i: (0, i, 0)),
                pl.BlockSpec((bn0, d), lambda i: (i, 0)),
                wspec, wspec, wspec],
      out_specs=pl.BlockSpec((bn0, d), lambda i: (i, 0)),
      out_shape=jax.ShapeDtypeStruct((n0, d), jnp.float32))(
          agg1, deg, x0, W_conv1, W_lin1, W_trans)
  return out

# --- scband reference (transcript-rebuilt; emitter-appended) ---
"""Pipeline reference for scband-tplink-gnn-44169443672613 (READ-ONLY COPY).

The authoritative reference and input builder live on the scoring server;
editing this copy changes nothing except your own understanding.
"""

import jax, jax.numpy as jnp
import numpy as np

N = 10000
E = 320000
D = 128


def setup_inputs(seed: int = 0) -> dict:
    key = jax.random.key(seed)
    ks = jax.random.split(key, 9)
    x = jax.random.normal(ks[0], (N, D), dtype=jnp.float32)
    edge_index = jax.random.randint(ks[1], (2, E), 0, N, dtype=jnp.int32)
    s = 1.0 / np.sqrt(D)
    W_in = jax.random.normal(ks[2], (D, D), dtype=jnp.float32) * s
    W_conv0 = jax.random.normal(ks[3], (D, D), dtype=jnp.float32) * s
    W_conv1 = jax.random.normal(ks[4], (D, D), dtype=jnp.float32) * s
    W_lin0 = jax.random.normal(ks[5], (D, D), dtype=jnp.float32) * s
    W_lin1 = jax.random.normal(ks[6], (D, D), dtype=jnp.float32) * s
    W_trans = jax.random.normal(ks[7], (D, D), dtype=jnp.float32) * s
    return {"x": x, "edge_index": edge_index, "W_in": W_in, "W_conv0": W_conv0,
            "W_conv1": W_conv1, "W_lin0": W_lin0, "W_lin1": W_lin1, "W_trans": W_trans}


def reference(x, edge_index, W_in, W_conv0, W_conv1, W_lin0, W_lin1, W_trans):
    # TPLinkGNN active forward path (eval mode, dropout identity):
    #   x = lin_input(data.x)
    #   for each LSMP layer: message passing over edge_index, linear, relu
    #   residual: x_hat = x + x_hat; transform; relu
    src = edge_index[0]
    dst = edge_index[1]
    x0 = x @ W_in
    h = x0
    ones = jnp.ones((E, 1), dtype=jnp.float32)
    deg = jax.ops.segment_sum(ones, dst, num_segments=N)
    deg = jnp.clip(deg, 1.0, None)
    for Wc, Wl in ((W_conv0, W_lin0), (W_conv1, W_lin1)):
        msg = jnp.take(h, src, axis=0) @ Wc          # gather neighbor feats
        agg = jax.ops.segment_sum(msg, dst, num_segments=N)  # scatter-add
        h = agg / deg                                 # mean aggregation
        h = jax.nn.relu(h @ Wl)
    x_hat = jax.nn.relu((x0 + h) @ W_trans)
    return x_hat

if __name__ == "__main__":
    import jax
    _d = setup_inputs()
    print(jax.jit(kernel)(*tuple(_d.values())))

</pallas_src>

<mosaic_0001>
#map = affine_map<(d0, d1) -> (0, 0)>
#map1 = affine_map<(d0, d1) -> (0, 0, 0)>
module attributes {stable_mosaic.version = 14 : i64} {
  func.func @body(%arg0: i32, %arg1: i32, %arg2: memref<10112x128xf32, #tpu.memory_space<hbm>>, %arg3: memref<32x80x128xi32, #tpu.memory_space<hbm>>, %arg4: memref<32x80x128xi32, #tpu.memory_space<hbm>>, %arg5: memref<632x128xf32, #tpu.memory_space<hbm>>, %arg6: memref<2x10112x128xf32, #tpu.memory_space<hbm>>, %arg7: memref<40x128xi32, #tpu.memory_space<vmem>>, %arg8: memref<40x128xi32, #tpu.memory_space<vmem>>, %arg9: memref<2x128x128xf32, #tpu.memory_space<vmem>>, %arg10: memref<10112x128xf32, #tpu.memory_space<vmem_shared>>, %arg11: memref<!tpu.dma_semaphore, #tpu.memory_space<semaphore_mem>>, %arg12: memref<!tpu.dma_semaphore, #tpu.memory_space<semaphore_mem>>) attributes {dimension_semantics = [#tpu.dimension_semantics<core_parallel>, #tpu.dimension_semantics<subcore_parallel>], iteration_bounds = array<i64: 2, 16>, scalar_prefetch = 0 : i64, scratch_operands = 6 : i64, tpu.core_type = #tpu.core_type<sc_vector_subcore>, window_params = [{transform_indices = #map}, {transform_indices = #map1}, {transform_indices = #map1}, {transform_indices = #map}, {transform_indices = #map1}]} {
    %mul3A = arith.constant 2 : i32
    %mul3A_0 = arith.muli %arg1, %mul3A : i32
    %add3A = arith.addi %mul3A_0, %arg0 : i32
    %mul3A_1 = arith.constant 632 : i32
    %mul3A_2 = arith.muli %arg1, %mul3A_1 : i32
    "tpu.region"() ({
      %run_scoped3A = tpu.sem_alloc : memref<!tpu.dma_semaphore, #tpu.memory_space<semaphore_mem>>
      %dma_start3A = arith.constant 0 : i32
      %dma_start3A_9 = tpu.memref_slice %arg10[%mul3A_2, %dma_start3A] : memref<10112x128xf32, #tpu.memory_space<vmem_shared>> -> memref<632x128xf32, #tpu.memory_space<vmem_shared>>
      tpu.enqueue_dma source(%arg5 : memref<632x128xf32, #tpu.memory_space<hbm>>) target(%dma_start3A_9 : memref<632x128xf32, #tpu.memory_space<vmem_shared>>) target_semaphore(%run_scoped3A : memref<!tpu.dma_semaphore, #tpu.memory_space<semaphore_mem>>)
      %dma_wait3A = arith.constant 0 : i32
      %dma_wait3A_10 = tpu.memref_slice %arg10[%mul3A_2, %dma_wait3A] : memref<10112x128xf32, #tpu.memory_space<vmem_shared>> -> memref<632x128xf32, #tpu.memory_space<vmem_shared>>
      tpu.wait_dma2 semaphore(%run_scoped3A : memref<!tpu.dma_semaphore, #tpu.memory_space<semaphore_mem>>) src(%arg5 : memref<632x128xf32, #tpu.memory_space<hbm>>) dst(%dma_wait3A_10 : memref<632x128xf32, #tpu.memory_space<vmem_shared>>)
      tpu.yield
    }) : () -> ()
    %barrier3A = arith.constant 0 : index
    tpu.barrier barrier_id(%barrier3A)
    %scan3A = arith.constant 0 : i32
    %scan3A_3 = arith.constant 0 : i32
    %scan3A_4 = arith.constant 2 : i32
    %scan3A_5 = arith.addi %scan3A_3, %scan3A_4 : i32
    %scan3A_6 = arith.constant 1 : i32
    scf.for %scan3A_9 = %scan3A_3 to %scan3A_5 step %scan3A_6  : i32 {
      %mul3A_10 = arith.constant 40 : i32
      %mul3A_11 = arith.muli %scan3A_9, %mul3A_10 : i32
      "tpu.region"() ({
        %run_scoped3A = tpu.sem_alloc : memref<!tpu.dma_semaphore, #tpu.memory_space<semaphore_mem>>
        %dma_start3A_31 = arith.constant 0 : i32
        %dma_start3A_32 = tpu.memref_slice %arg3[%add3A, %mul3A_11, %dma_start3A_31] : memref<32x80x128xi32, #tpu.memory_space<hbm>> -> memref<1x40x128xi32, #tpu.memory_space<hbm>>
        %dma_start3A_33 = tpu.memref_squeeze %dma_start3A_32 : memref<1x40x128xi32, #tpu.memory_space<hbm>> -> memref<40x128xi32, #tpu.memory_space<hbm>>
        %dma_start3A_34 = arith.constant 0 : i32
        %dma_start3A_35 = tpu.memref_slice %arg3[%add3A, %mul3A_11, %dma_start3A_34] : memref<32x80x128xi32, #tpu.memory_space<hbm>> -> memref<1x40x128xi32, #tpu.memory_space<hbm>>
        %dma_start3A_36 = tpu.memref_squeeze %dma_start3A_35 : memref<1x40x128xi32, #tpu.memory_space<hbm>> -> memref<40x128xi32, #tpu.memory_space<hbm>>
        tpu.enqueue_dma source(%dma_start3A_36 : memref<40x128xi32, #tpu.memory_space<hbm>>) target(%arg7 : memref<40x128xi32, #tpu.memory_space<vmem>>) target_semaphore(%run_scoped3A : memref<!tpu.dma_semaphore, #tpu.memory_space<semaphore_mem>>)
        %dma_wait3A = arith.constant 0 : i32
        %dma_wait3A_37 = tpu.memref_slice %arg3[%add3A, %mul3A_11, %dma_wait3A] : memref<32x80x128xi32, #tpu.memory_space<hbm>> -> memref<1x40x128xi32, #tpu.memory_space<hbm>>
        %dma_wait3A_38 = tpu.memref_squeeze %dma_wait3A_37 : memref<1x40x128xi32, #tpu.memory_space<hbm>> -> memref<40x128xi32, #tpu.memory_space<hbm>>
        %dma_wait3A_39 = arith.constant 0 : i32
        %dma_wait3A_40 = tpu.memref_slice %arg3[%add3A, %mul3A_11, %dma_wait3A_39] : memref<32x80x128xi32, #tpu.memory_space<hbm>> -> memref<1x40x128xi32, #tpu.memory_space<hbm>>
        %dma_wait3A_41 = tpu.memref_squeeze %dma_wait3A_40 : memref<1x40x128xi32, #tpu.memory_space<hbm>> -> memref<40x128xi32, #tpu.memory_space<hbm>>
        tpu.wait_dma2 semaphore(%run_scoped3A : memref<!tpu.dma_semaphore, #tpu.memory_space<semaphore_mem>>) src(%dma_wait3A_41 : memref<40x128xi32, #tpu.memory_space<hbm>>) dst(%arg7 : memref<40x128xi32, #tpu.memory_space<vmem>>)
        tpu.yield
      }) : () -> ()
      %mul3A_12 = arith.constant 40 : i32
      %mul3A_13 = arith.muli %scan3A_9, %mul3A_12 : i32
      "tpu.region"() ({
        %run_scoped3A = tpu.sem_alloc : memref<!tpu.dma_semaphore, #tpu.memory_space<semaphore_mem>>
        %dma_start3A_31 = arith.constant 0 : i32
        %dma_start3A_32 = tpu.memref_slice %arg4[%add3A, %mul3A_13, %dma_start3A_31] : memref<32x80x128xi32, #tpu.memory_space<hbm>> -> memref<1x40x128xi32, #tpu.memory_space<hbm>>
        %dma_start3A_33 = tpu.memref_squeeze %dma_start3A_32 : memref<1x40x128xi32, #tpu.memory_space<hbm>> -> memref<40x128xi32, #tpu.memory_space<hbm>>
        %dma_start3A_34 = arith.constant 0 : i32
        %dma_start3A_35 = tpu.memref_slice %arg4[%add3A, %mul3A_13, %dma_start3A_34] : memref<32x80x128xi32, #tpu.memory_space<hbm>> -> memref<1x40x128xi32, #tpu.memory_space<hbm>>
        %dma_start3A_36 = tpu.memref_squeeze %dma_start3A_35 : memref<1x40x128xi32, #tpu.memory_space<hbm>> -> memref<40x128xi32, #tpu.memory_space<hbm>>
        tpu.enqueue_dma source(%dma_start3A_36 : memref<40x128xi32, #tpu.memory_space<hbm>>) target(%arg8 : memref<40x128xi32, #tpu.memory_space<vmem>>) target_semaphore(%run_scoped3A : memref<!tpu.dma_semaphore, #tpu.memory_space<semaphore_mem>>)
        %dma_wait3A = arith.constant 0 : i32
        %dma_wait3A_37 = tpu.memref_slice %arg4[%add3A, %mul3A_13, %dma_wait3A] : memref<32x80x128xi32, #tpu.memory_space<hbm>> -> memref<1x40x128xi32, #tpu.memory_space<hbm>>
        %dma_wait3A_38 = tpu.memref_squeeze %dma_wait3A_37 : memref<1x40x128xi32, #tpu.memory_space<hbm>> -> memref<40x128xi32, #tpu.memory_space<hbm>>
        %dma_wait3A_39 = arith.constant 0 : i32
        %dma_wait3A_40 = tpu.memref_slice %arg4[%add3A, %mul3A_13, %dma_wait3A_39] : memref<32x80x128xi32, #tpu.memory_space<hbm>> -> memref<1x40x128xi32, #tpu.memory_space<hbm>>
        %dma_wait3A_41 = tpu.memref_squeeze %dma_wait3A_40 : memref<1x40x128xi32, #tpu.memory_space<hbm>> -> memref<40x128xi32, #tpu.memory_space<hbm>>
        tpu.wait_dma2 semaphore(%run_scoped3A : memref<!tpu.dma_semaphore, #tpu.memory_space<semaphore_mem>>) src(%dma_wait3A_41 : memref<40x128xi32, #tpu.memory_space<hbm>>) dst(%arg8 : memref<40x128xi32, #tpu.memory_space<vmem>>)
        tpu.yield
      }) : () -> ()
      %dma_start3A = arith.constant 0 : i32
      %dma_start3A_14 = arith.constant 0 : i32
      %dma_start3A_15 = arith.constant 0 : i32
      %dma_start3A_16 = arith.constant 0 : i32
      %dma_start3A_17 = tpu.memref_slice %arg9[%dma_start3A_14, %dma_start3A_15, %dma_start3A_16] : memref<2x128x128xf32, #tpu.memory_space<vmem>> -> memref<1x128x128xf32, #tpu.memory_space<vmem>>
      %dma_start3A_18 = tpu.memref_squeeze %dma_start3A_17 : memref<1x128x128xf32, #tpu.memory_space<vmem>> -> memref<128x128xf32, #tpu.memory_space<vmem>>
      %dma_start3A_19 = arith.constant 0 : i32
      %dma_start3A_20 = tpu.memref_slice %arg7[%dma_start3A, %dma_start3A_19] : memref<40x128xi32, #tpu.memory_space<vmem>> -> memref<1x128xi32, #tpu.memory_space<vmem>>
      %dma_start3A_21 = tpu.memref_squeeze %dma_start3A_20 : memref<1x128xi32, #tpu.memory_space<vmem>> -> memref<128xi32, #tpu.memory_space<vmem>>
      %dma_start3A_22 = arith.constant 0 : i32
      %dma_start3A_23 = arith.constant 0 : i32
      %dma_start3A_24 = tpu.memref_slice %arg2[%dma_start3A_22, %dma_start3A_23] : memref<10112x128xf32, #tpu.memory_space<hbm>> -> memref<10112x128xf32, #tpu.memory_space<hbm>>
      tpu.enqueue_indirect_dma source(%dma_start3A_24 : memref<10112x128xf32, #tpu.memory_space<hbm>>) target(%dma_start3A_18 : memref<128x128xf32, #tpu.memory_space<vmem>>) offsets(%dma_start3A_21 : memref<128xi32, #tpu.memory_space<vmem>>) semaphore(%arg11 : memref<!tpu.dma_semaphore, #tpu.memory_space<semaphore_mem>>)
      %scan3A_25 = arith.constant 0 : i32
      %scan3A_26 = arith.constant 0 : i32
      %scan3A_27 = arith.constant 20 : i32
      %scan3A_28 = arith.addi %scan3A_26, %scan3A_27 : i32
      %scan3A_29 = arith.constant 1 : i32
      scf.for %scan3A_31 = %scan3A_26 to %scan3A_28 step %scan3A_29  : i32 {
        %mul3A_32 = arith.constant 2 : i32
        %mul3A_33 = arith.muli %mul3A_32, %scan3A_31 : i32
        %add3A_34 = arith.constant 1 : i32
        %add3A_35 = arith.addi %mul3A_33, %add3A_34 : i32
        %dma_wait3A = arith.constant 0 : i32
        %dma_wait3A_36 = arith.constant 0 : i32
        %dma_wait3A_37 = arith.constant 0 : i32
        %dma_wait3A_38 = tpu.memref_slice %arg9[%dma_wait3A, %dma_wait3A_36, %dma_wait3A_37] : memref<2x128x128xf32, #tpu.memory_space<vmem>> -> memref<1x128x128xf32, #tpu.memory_space<vmem>>
        %dma_wait3A_39 = tpu.memref_squeeze %dma_wait3A_38 : memref<1x128x128xf32, #tpu.memory_space<vmem>> -> memref<128x128xf32, #tpu.memory_space<vmem>>
        %dma_wait3A_40 = arith.constant 0 : i32
        %dma_wait3A_41 = tpu.memref_slice %arg7[%mul3A_33, %dma_wait3A_40] : memref<40x128xi32, #tpu.memory_space<vmem>> -> memref<1x128xi32, #tpu.memory_space<vmem>>
        %dma_wait3A_42 = tpu.memref_squeeze %dma_wait3A_41 : memref<1x128xi32, #tpu.memory_space<vmem>> -> memref<128xi32, #tpu.memory_space<vmem>>
        %dma_wait3A_43 = arith.constant 0 : i32
        %dma_wait3A_44 = arith.constant 0 : i32
        %dma_wait3A_45 = tpu.memref_slice %arg2[%dma_wait3A_43, %dma_wait3A_44] : memref<10112x128xf32, #tpu.memory_space<hbm>> -> memref<10112x128xf32, #tpu.memory_space<hbm>>
        tpu.wait_indirect_dma semaphore(%arg11 : memref<!tpu.dma_semaphore, #tpu.memory_space<semaphore_mem>>) src(%dma_wait3A_45 : memref<10112x128xf32, #tpu.memory_space<hbm>>) dst(%dma_wait3A_39 : memref<128x128xf32, #tpu.memory_space<vmem>>)
        %dma_start3A_46 = arith.constant 1 : i32
        %dma_start3A_47 = arith.constant 0 : i32
        %dma_start3A_48 = arith.constant 0 : i32
        %dma_start3A_49 = tpu.memref_slice %arg9[%dma_start3A_46, %dma_start3A_47, %dma_start3A_48] : memref<2x128x128xf32, #tpu.memory_space<vmem>> -> memref<1x128x128xf32, #tpu.memory_space<vmem>>
        %dma_start3A_50 = tpu.memref_squeeze %dma_start3A_49 : memref<1x128x128xf32, #tpu.memory_space<vmem>> -> memref<128x128xf32, #tpu.memory_space<vmem>>
        %dma_start3A_51 = arith.constant 0 : i32
        %dma_start3A_52 = tpu.memref_slice %arg7[%add3A_35, %dma_start3A_51] : memref<40x128xi32, #tpu.memory_space<vmem>> -> memref<1x128xi32, #tpu.memory_space<vmem>>
        %dma_start3A_53 = tpu.memref_squeeze %dma_start3A_52 : memref<1x128xi32, #tpu.memory_space<vmem>> -> memref<128xi32, #tpu.memory_space<vmem>>
        %dma_start3A_54 = arith.constant 0 : i32
        %dma_start3A_55 = arith.constant 0 : i32
        %dma_start3A_56 = tpu.memref_slice %arg2[%dma_start3A_54, %dma_start3A_55] : memref<10112x128xf32, #tpu.memory_space<hbm>> -> memref<10112x128xf32, #tpu.memory_space<hbm>>
        tpu.enqueue_indirect_dma source(%dma_start3A_56 : memref<10112x128xf32, #tpu.memory_space<hbm>>) target(%dma_start3A_50 : memref<128x128xf32, #tpu.memory_space<vmem>>) offsets(%dma_start3A_53 : memref<128xi32, #tpu.memory_space<vmem>>) semaphore(%arg12 : memref<!tpu.dma_semaphore, #tpu.memory_space<semaphore_mem>>)
        %run_scoped3A = arith.constant 0 : i32
        "tpu.region"() ({
          %run_scoped3A_71 = tpu.sem_alloc : memref<!tpu.dma_semaphore, #tpu.memory_space<semaphore_mem>>
          %dma_start3A_72 = arith.constant 0 : i32
          %dma_start3A_73 = arith.constant 0 : i32
          %dma_start3A_74 = tpu.memref_slice %arg9[%run_scoped3A, %dma_start3A_72, %dma_start3A_73] : memref<2x128x128xf32, #tpu.memory_space<vmem>> -> memref<1x128x128xf32, #tpu.memory_space<vmem>>
          %dma_start3A_75 = tpu.memref_squeeze %dma_start3A_74 : memref<1x128x128xf32, #tpu.memory_space<vmem>> -> memref<128x128xf32, #tpu.memory_space<vmem>>
          %dma_start3A_76 = arith.constant 0 : i32
          %dma_start3A_77 = tpu.memref_slice %arg8[%mul3A_33, %dma_start3A_76] : memref<40x128xi32, #tpu.memory_space<vmem>> -> memref<1x128xi32, #tpu.memory_space<vmem>>
          %dma_start3A_78 = tpu.memref_squeeze %dma_start3A_77 : memref<1x128xi32, #tpu.memory_space<vmem>> -> memref<128xi32, #tpu.memory_space<vmem>>
          %dma_start3A_79 = arith.constant 0 : i32
          %dma_start3A_80 = arith.constant 0 : i32
          %dma_start3A_81 = tpu.memref_slice %arg10[%dma_start3A_79, %dma_start3A_80] : memref<10112x128xf32, #tpu.memory_space<vmem_shared>> -> memref<10112x128xf32, #tpu.memory_space<vmem_shared>>
          tpu.enqueue_indirect_dma source(%dma_start3A_75 : memref<128x128xf32, #tpu.memory_space<vmem>>) target(%dma_start3A_81 : memref<10112x128xf32, #tpu.memory_space<vmem_shared>>) offsets(%dma_start3A_78 : memref<128xi32, #tpu.memory_space<vmem>>) semaphore(%run_scoped3A_71 : memref<!tpu.dma_semaphore, #tpu.memory_space<semaphore_mem>>) {add = true}
          %dma_wait3A_82 = arith.constant 0 : i32
          %dma_wait3A_83 = arith.constant 0 : i32
          %dma_wait3A_84 = tpu.memref_slice %arg9[%run_scoped3A, %dma_wait3A_82, %dma_wait3A_83] : memref<2x128x128xf32, #tpu.memory_space<vmem>> -> memref<1x128x128xf32, #tpu.memory_space<vmem>>
          %dma_wait3A_85 = tpu.memref_squeeze %dma_wait3A_84 : memref<1x128x128xf32, #tpu.memory_space<vmem>> -> memref<128x128xf32, #tpu.memory_space<vmem>>
          %dma_wait3A_86 = arith.constant 0 : i32
          %dma_wait3A_87 = tpu.memref_slice %arg8[%mul3A_33, %dma_wait3A_86] : memref<40x128xi32, #tpu.memory_space<vmem>> -> memref<1x128xi32, #tpu.memory_space<vmem>>
          %dma_wait3A_88 = tpu.memref_squeeze %dma_wait3A_87 : memref<1x128xi32, #tpu.memory_space<vmem>> -> memref<128xi32, #tpu.memory_space<vmem>>
          %dma_wait3A_89 = arith.constant 0 : i32
          %dma_wait3A_90 = arith.constant 0 : i32
          %dma_wait3A_91 = tpu.memref_slice %arg10[%dma_wait3A_89, %dma_wait3A_90] : memref<10112x128xf32, #tpu.memory_space<vmem_shared>> -> memref<10112x128xf32, #tpu.memory_space<vmem_shared>>
          tpu.wait_indirect_dma semaphore(%run_scoped3A_71 : memref<!tpu.dma_semaphore, #tpu.memory_space<semaphore_mem>>) src(%dma_wait3A_85 : memref<128x128xf32, #tpu.memory_space<vmem>>) dst(%dma_wait3A_91 : memref<10112x128xf32, #tpu.memory_space<vmem_shared>>)
          tpu.yield
        }) : () -> ()
        %dma_wait3A_57 = arith.constant 1 : i32
        %dma_wait3A_58 = arith.constant 0 : i32
        %dma_wait3A_59 = arith.constant 0 : i32
        %dma_wait3A_60 = tpu.memref_slice %arg9[%dma_wait3A_57, %dma_wait3A_58, %dma_wait3A_59] : memref<2x128x128xf32, #tpu.memory_space<vmem>> -> memref<1x128x128xf32, #tpu.memory_space<vmem>>
        %dma_wait3A_61 = tpu.memref_squeeze %dma_wait3A_60 : memref<1x128x128xf32, #tpu.memory_space<vmem>> -> memref<128x128xf32, #tpu.memory_space<vmem>>
        %dma_wait3A_62 = arith.constant 0 : i32
        %dma_wait3A_63 = tpu.memref_slice %arg7[%add3A_35, %dma_wait3A_62] : memref<40x128xi32, #tpu.memory_space<vmem>> -> memref<1x128xi32, #tpu.memory_space<vmem>>
        %dma_wait3A_64 = tpu.memref_squeeze %dma_wait3A_63 : memref<1x128xi32, #tpu.memory_space<vmem>> -> memref<128xi32, #tpu.memory_space<vmem>>
        %dma_wait3A_65 = arith.constant 0 : i32
        %dma_wait3A_66 = arith.constant 0 : i32
        %dma_wait3A_67 = tpu.memref_slice %arg2[%dma_wait3A_65, %dma_wait3A_66] : memref<10112x128xf32, #tpu.memory_space<hbm>> -> memref<10112x128xf32, #tpu.memory_space<hbm>>
        tpu.wait_indirect_dma semaphore(%arg12 : memref<!tpu.dma_semaphore, #tpu.memory_space<semaphore_mem>>) src(%dma_wait3A_67 : memref<10112x128xf32, #tpu.memory_space<hbm>>) dst(%dma_wait3A_61 : memref<128x128xf32, #tpu.memory_space<vmem>>)
        %lt3A = arith.constant 19 : i32
        %lt3A_68 = arith.cmpi slt, %scan3A_31, %lt3A : i32
        %convert_element_type3A = arith.extui %lt3A_68 : i1 to i32
        %cond3A = arith.constant 0 : i32
        %cond3A_69 = arith.cmpi ne, %convert_element_type3A, %cond3A : i32
        scf.if %cond3A_69 {
          %add3A_71 = arith.constant 2 : i32
          %add3A_72 = arith.addi %mul3A_33, %add3A_71 : i32
          %dma_start3A_73 = arith.constant 0 : i32
          %dma_start3A_74 = arith.constant 0 : i32
          %dma_start3A_75 = arith.constant 0 : i32
          %dma_start3A_76 = tpu.memref_slice %arg9[%dma_start3A_73, %dma_start3A_74, %dma_start3A_75] : memref<2x128x128xf32, #tpu.memory_space<vmem>> -> memref<1x128x128xf32, #tpu.memory_space<vmem>>
          %dma_start3A_77 = tpu.memref_squeeze %dma_start3A_76 : memref<1x128x128xf32, #tpu.memory_space<vmem>> -> memref<128x128xf32, #tpu.memory_space<vmem>>
          %dma_start3A_78 = arith.constant 0 : i32
          %dma_start3A_79 = tpu.memref_slice %arg7[%add3A_72, %dma_start3A_78] : memref<40x128xi32, #tpu.memory_space<vmem>> -> memref<1x128xi32, #tpu.memory_space<vmem>>
          %dma_start3A_80 = tpu.memref_squeeze %dma_start3A_79 : memref<1x128xi32, #tpu.memory_space<vmem>> -> memref<128xi32, #tpu.memory_space<vmem>>
          %dma_start3A_81 = arith.constant 0 : i32
          %dma_start3A_82 = arith.constant 0 : i32
          %dma_start3A_83 = tpu.memref_slice %arg2[%dma_start3A_81, %dma_start3A_82] : memref<10112x128xf32, #tpu.memory_space<hbm>> -> memref<10112x128xf32, #tpu.memory_space<hbm>>
          tpu.enqueue_indirect_dma source(%dma_start3A_83 : memref<10112x128xf32, #tpu.memory_space<hbm>>) target(%dma_start3A_77 : memref<128x128xf32, #tpu.memory_space<vmem>>) offsets(%dma_start3A_80 : memref<128xi32, #tpu.memory_space<vmem>>) semaphore(%arg11 : memref<!tpu.dma_semaphore, #tpu.memory_space<semaphore_mem>>)
        } else {
        }
        %run_scoped3A_70 = arith.constant 1 : i32
        "tpu.region"() ({
          %run_scoped3A_71 = tpu.sem_alloc : memref<!tpu.dma_semaphore, #tpu.memory_space<semaphore_mem>>
          %dma_start3A_72 = arith.constant 0 : i32
          %dma_start3A_73 = arith.constant 0 : i32
          %dma_start3A_74 = tpu.memref_slice %arg9[%run_scoped3A_70, %dma_start3A_72, %dma_start3A_73] : memref<2x128x128xf32, #tpu.memory_space<vmem>> -> memref<1x128x128xf32, #tpu.memory_space<vmem>>
          %dma_start3A_75 = tpu.memref_squeeze %dma_start3A_74 : memref<1x128x128xf32, #tpu.memory_space<vmem>> -> memref<128x128xf32, #tpu.memory_space<vmem>>
          %dma_start3A_76 = arith.constant 0 : i32
          %dma_start3A_77 = tpu.memref_slice %arg8[%add3A_35, %dma_start3A_76] : memref<40x128xi32, #tpu.memory_space<vmem>> -> memref<1x128xi32, #tpu.memory_space<vmem>>
          %dma_start3A_78 = tpu.memref_squeeze %dma_start3A_77 : memref<1x128xi32, #tpu.memory_space<vmem>> -> memref<128xi32, #tpu.memory_space<vmem>>
          %dma_start3A_79 = arith.constant 0 : i32
          %dma_start3A_80 = arith.constant 0 : i32
          %dma_start3A_81 = tpu.memref_slice %arg10[%dma_start3A_79, %dma_start3A_80] : memref<10112x128xf32, #tpu.memory_space<vmem_shared>> -> memref<10112x128xf32, #tpu.memory_space<vmem_shared>>
          tpu.enqueue_indirect_dma source(%dma_start3A_75 : memref<128x128xf32, #tpu.memory_space<vmem>>) target(%dma_start3A_81 : memref<10112x128xf32, #tpu.memory_space<vmem_shared>>) offsets(%dma_start3A_78 : memref<128xi32, #tpu.memory_space<vmem>>) semaphore(%run_scoped3A_71 : memref<!tpu.dma_semaphore, #tpu.memory_space<semaphore_mem>>) {add = true}
          %dma_wait3A_82 = arith.constant 0 : i32
          %dma_wait3A_83 = arith.constant 0 : i32
          %dma_wait3A_84 = tpu.memref_slice %arg9[%run_scoped3A_70, %dma_wait3A_82, %dma_wait3A_83] : memref<2x128x128xf32, #tpu.memory_space<vmem>> -> memref<1x128x128xf32, #tpu.memory_space<vmem>>
          %dma_wait3A_85 = tpu.memref_squeeze %dma_wait3A_84 : memref<1x128x128xf32, #tpu.memory_space<vmem>> -> memref<128x128xf32, #tpu.memory_space<vmem>>
          %dma_wait3A_86 = arith.constant 0 : i32
          %dma_wait3A_87 = tpu.memref_slice %arg8[%add3A_35, %dma_wait3A_86] : memref<40x128xi32, #tpu.memory_space<vmem>> -> memref<1x128xi32, #tpu.memory_space<vmem>>
          %dma_wait3A_88 = tpu.memref_squeeze %dma_wait3A_87 : memref<1x128xi32, #tpu.memory_space<vmem>> -> memref<128xi32, #tpu.memory_space<vmem>>
          %dma_wait3A_89 = arith.constant 0 : i32
          %dma_wait3A_90 = arith.constant 0 : i32
          %dma_wait3A_91 = tpu.memref_slice %arg10[%dma_wait3A_89, %dma_wait3A_90] : memref<10112x128xf32, #tpu.memory_space<vmem_shared>> -> memref<10112x128xf32, #tpu.memory_space<vmem_shared>>
          tpu.wait_indirect_dma semaphore(%run_scoped3A_71 : memref<!tpu.dma_semaphore, #tpu.memory_space<semaphore_mem>>) src(%dma_wait3A_85 : memref<128x128xf32, #tpu.memory_space<vmem>>) dst(%dma_wait3A_91 : memref<10112x128xf32, #tpu.memory_space<vmem_shared>>)
          tpu.yield
        }) : () -> ()
      }
      %scan3A_30 = arith.constant 20 : i32
    }
    %scan3A_7 = arith.constant 2 : i32
    %barrier3A_8 = arith.constant 0 : index
    tpu.barrier barrier_id(%barrier3A_8)
    "tpu.region"() ({
      %run_scoped3A = tpu.sem_alloc : memref<!tpu.dma_semaphore, #tpu.memory_space<semaphore_mem>>
      %dma_start3A = arith.constant 0 : i32
      %dma_start3A_9 = tpu.memref_slice %arg6[%arg0, %mul3A_2, %dma_start3A] : memref<2x10112x128xf32, #tpu.memory_space<hbm>> -> memref<1x632x128xf32, #tpu.memory_space<hbm>>
      %dma_start3A_10 = tpu.memref_squeeze %dma_start3A_9 : memref<1x632x128xf32, #tpu.memory_space<hbm>> -> memref<632x128xf32, #tpu.memory_space<hbm>>
      %dma_start3A_11 = arith.constant 0 : i32
      %dma_start3A_12 = tpu.memref_slice %arg10[%mul3A_2, %dma_start3A_11] : memref<10112x128xf32, #tpu.memory_space<vmem_shared>> -> memref<632x128xf32, #tpu.memory_space<vmem_shared>>
      tpu.enqueue_dma source(%dma_start3A_12 : memref<632x128xf32, #tpu.memory_space<vmem_shared>>) target(%dma_start3A_10 : memref<632x128xf32, #tpu.memory_space<hbm>>) target_semaphore(%run_scoped3A : memref<!tpu.dma_semaphore, #tpu.memory_space<semaphore_mem>>)
      %dma_wait3A = arith.constant 0 : i32
      %dma_wait3A_13 = tpu.memref_slice %arg6[%arg0, %mul3A_2, %dma_wait3A] : memref<2x10112x128xf32, #tpu.memory_space<hbm>> -> memref<1x632x128xf32, #tpu.memory_space<hbm>>
      %dma_wait3A_14 = tpu.memref_squeeze %dma_wait3A_13 : memref<1x632x128xf32, #tpu.memory_space<hbm>> -> memref<632x128xf32, #tpu.memory_space<hbm>>
      %dma_wait3A_15 = arith.constant 0 : i32
      %dma_wait3A_16 = tpu.memref_slice %arg10[%mul3A_2, %dma_wait3A_15] : memref<10112x128xf32, #tpu.memory_space<vmem_shared>> -> memref<632x128xf32, #tpu.memory_space<vmem_shared>>
      tpu.wait_dma2 semaphore(%run_scoped3A : memref<!tpu.dma_semaphore, #tpu.memory_space<semaphore_mem>>) src(%dma_wait3A_16 : memref<632x128xf32, #tpu.memory_space<vmem_shared>>) dst(%dma_wait3A_14 : memref<632x128xf32, #tpu.memory_space<hbm>>)
      tpu.yield
    }) : () -> ()
    return
  }
}

#map = affine_map<(d0, d1) -> (0, 0, 0)>
#map1 = affine_map<(d0, d1) -> (0, 0)>
module attributes {stable_mosaic.version = 14 : i64} {
  func.func @body(%arg0: i32, %arg1: i32, %arg2: memref<32x80x128xi32, #tpu.memory_space<hbm>>, %arg3: memref<128x128xf32, #tpu.memory_space<hbm>>, %arg4: memref<632x128xf32, #tpu.memory_space<hbm>>, %arg5: memref<2x10112x128xf32, #tpu.memory_space<hbm>>, %arg6: memref<80x128xi32, #tpu.memory_space<vmem>>, %arg7: memref<128x128xf32, #tpu.memory_space<vmem>>, %arg8: memref<10112x128xf32, #tpu.memory_space<vmem_shared>>, %arg9: memref<!tpu.dma_semaphore, #tpu.memory_space<semaphore_mem>>) attributes {dimension_semantics = [#tpu.dimension_semantics<core_parallel>, #tpu.dimension_semantics<subcore_parallel>], iteration_bounds = array<i64: 2, 16>, scalar_prefetch = 0 : i64, scratch_operands = 4 : i64, tpu.core_type = #tpu.core_type<sc_vector_subcore>, window_params = [{transform_indices = #map}, {transform_indices = #map1}, {transform_indices = #map1}, {transform_indices = #map}]} {
    %mul3A = arith.constant 2 : i32
    %mul3A_0 = arith.muli %arg1, %mul3A : i32
    %add3A = arith.addi %mul3A_0, %arg0 : i32
    %mul3A_1 = arith.constant 632 : i32
    %mul3A_2 = arith.muli %arg1, %mul3A_1 : i32
    "tpu.region"() ({
      %run_scoped3A = tpu.sem_alloc : memref<!tpu.dma_semaphore, #tpu.memory_space<semaphore_mem>>
      %dma_start3A = arith.constant 0 : i32
      %dma_start3A_15 = tpu.memref_slice %arg8[%mul3A_2, %dma_start3A] : memref<10112x128xf32, #tpu.memory_space<vmem_shared>> -> memref<632x128xf32, #tpu.memory_space<vmem_shared>>
      tpu.enqueue_dma source(%arg4 : memref<632x128xf32, #tpu.memory_space<hbm>>) target(%dma_start3A_15 : memref<632x128xf32, #tpu.memory_space<vmem_shared>>) target_semaphore(%run_scoped3A : memref<!tpu.dma_semaphore, #tpu.memory_space<semaphore_mem>>)
      %dma_wait3A = arith.constant 0 : i32
      %dma_wait3A_16 = tpu.memref_slice %arg8[%mul3A_2, %dma_wait3A] : memref<10112x128xf32, #tpu.memory_space<vmem_shared>> -> memref<632x128xf32, #tpu.memory_space<vmem_shared>>
      tpu.wait_dma2 semaphore(%run_scoped3A : memref<!tpu.dma_semaphore, #tpu.memory_space<semaphore_mem>>) src(%arg4 : memref<632x128xf32, #tpu.memory_space<hbm>>) dst(%dma_wait3A_16 : memref<632x128xf32, #tpu.memory_space<vmem_shared>>)
      tpu.yield
    }) : () -> ()
    "tpu.region"() ({
      %run_scoped3A = tpu.sem_alloc : memref<!tpu.dma_semaphore, #tpu.memory_space<semaphore_mem>>
      tpu.enqueue_dma source(%arg3 : memref<128x128xf32, #tpu.memory_space<hbm>>) target(%arg7 : memref<128x128xf32, #tpu.memory_space<vmem>>) target_semaphore(%run_scoped3A : memref<!tpu.dma_semaphore, #tpu.memory_space<semaphore_mem>>)
      tpu.wait_dma2 semaphore(%run_scoped3A : memref<!tpu.dma_semaphore, #tpu.memory_space<semaphore_mem>>) src(%arg3 : memref<128x128xf32, #tpu.memory_space<hbm>>) dst(%arg7 : memref<128x128xf32, #tpu.memory_space<vmem>>)
      tpu.yield
    }) : () -> ()
    "tpu.region"() ({
      %run_scoped3A = tpu.sem_alloc : memref<!tpu.dma_semaphore, #tpu.memory_space<semaphore_mem>>
      %dma_start3A = arith.constant 0 : i32
      %dma_start3A_15 = arith.constant 0 : i32
      %dma_start3A_16 = tpu.memref_slice %arg2[%add3A, %dma_start3A, %dma_start3A_15] : memref<32x80x128xi32, #tpu.memory_space<hbm>> -> memref<1x80x128xi32, #tpu.memory_space<hbm>>
      %dma_start3A_17 = tpu.memref_squeeze %dma_start3A_16 : memref<1x80x128xi32, #tpu.memory_space<hbm>> -> memref<80x128xi32, #tpu.memory_space<hbm>>
      %dma_start3A_18 = arith.constant 0 : i32
      %dma_start3A_19 = arith.constant 0 : i32
      %dma_start3A_20 = tpu.memref_slice %arg2[%add3A, %dma_start3A_18, %dma_start3A_19] : memref<32x80x128xi32, #tpu.memory_space<hbm>> -> memref<1x80x128xi32, #tpu.memory_space<hbm>>
      %dma_start3A_21 = tpu.memref_squeeze %dma_start3A_20 : memref<1x80x128xi32, #tpu.memory_space<hbm>> -> memref<80x128xi32, #tpu.memory_space<hbm>>
      tpu.enqueue_dma source(%dma_start3A_21 : memref<80x128xi32, #tpu.memory_space<hbm>>) target(%arg6 : memref<80x128xi32, #tpu.memory_space<vmem>>) target_semaphore(%run_scoped3A : memref<!tpu.dma_semaphore, #tpu.memory_space<semaphore_mem>>)
      %dma_wait3A = arith.constant 0 : i32
      %dma_wait3A_22 = arith.constant 0 : i32
      %dma_wait3A_23 = tpu.memref_slice %arg2[%add3A, %dma_wait3A, %dma_wait3A_22] : memref<32x80x128xi32, #tpu.memory_space<hbm>> -> memref<1x80x128xi32, #tpu.memory_space<hbm>>
      %dma_wait3A_24 = tpu.memref_squeeze %dma_wait3A_23 : memref<1x80x128xi32, #tpu.memory_space<hbm>> -> memref<80x128xi32, #tpu.memory_space<hbm>>
      %dma_wait3A_25 = arith.constant 0 : i32
      %dma_wait3A_26 = arith.constant 0 : i32
      %dma_wait3A_27 = tpu.memref_slice %arg2[%add3A, %dma_wait3A_25, %dma_wait3A_26] : memref<32x80x128xi32, #tpu.memory_space<hbm>> -> memref<1x80x128xi32, #tpu.memory_space<hbm>>
      %dma_wait3A_28 = tpu.memref_squeeze %dma_wait3A_27 : memref<1x80x128xi32, #tpu.memory_space<hbm>> -> memref<80x128xi32, #tpu.memory_space<hbm>>
      tpu.wait_dma2 semaphore(%run_scoped3A : memref<!tpu.dma_semaphore, #tpu.memory_space<semaphore_mem>>) src(%dma_wait3A_28 : memref<80x128xi32, #tpu.memory_space<hbm>>) dst(%arg6 : memref<80x128xi32, #tpu.memory_space<vmem>>)
      tpu.yield
    }) : () -> ()
    %barrier3A = arith.constant 0 : index
    tpu.barrier barrier_id(%barrier3A)
    %scan3A = arith.constant 0 : i32
    %scan3A_3 = arith.constant 0 : i32
    %scan3A_4 = arith.constant 80 : i32
    %scan3A_5 = arith.addi %scan3A_3, %scan3A_4 : i32
    %scan3A_6 = arith.constant 1 : i32
    scf.for %scan3A_15 = %scan3A_3 to %scan3A_5 step %scan3A_6  : i32 {
      %dma_start3A = arith.constant 0 : i32
      %dma_start3A_16 = tpu.memref_slice %arg6[%scan3A_15, %dma_start3A] : memref<80x128xi32, #tpu.memory_space<vmem>> -> memref<1x128xi32, #tpu.memory_space<vmem>>
      %dma_start3A_17 = tpu.memref_squeeze %dma_start3A_16 : memref<1x128xi32, #tpu.memory_space<vmem>> -> memref<128xi32, #tpu.memory_space<vmem>>
      %dma_start3A_18 = arith.constant 0 : i32
      %dma_start3A_19 = arith.constant 0 : i32
      %dma_start3A_20 = tpu.memref_slice %arg8[%dma_start3A_18, %dma_start3A_19] : memref<10112x128xf32, #tpu.memory_space<vmem_shared>> -> memref<10112x128xf32, #tpu.memory_space<vmem_shared>>
      tpu.enqueue_indirect_dma source(%arg7 : memref<128x128xf32, #tpu.memory_space<vmem>>) target(%dma_start3A_20 : memref<10112x128xf32, #tpu.memory_space<vmem_shared>>) offsets(%dma_start3A_17 : memref<128xi32, #tpu.memory_space<vmem>>) semaphore(%arg9 : memref<!tpu.dma_semaphore, #tpu.memory_space<semaphore_mem>>) {add = true}
    }
    %scan3A_7 = arith.constant 80 : i32
    %scan3A_8 = arith.constant 0 : i32
    %scan3A_9 = arith.constant 0 : i32
    %scan3A_10 = arith.constant 80 : i32
    %scan3A_11 = arith.addi %scan3A_9, %scan3A_10 : i32
    %scan3A_12 = arith.constant 1 : i32
    scf.for %scan3A_15 = %scan3A_9 to %scan3A_11 step %scan3A_12  : i32 {
      %dma_wait3A = arith.constant 0 : i32
      %dma_wait3A_16 = tpu.memref_slice %arg6[%scan3A_15, %dma_wait3A] : memref<80x128xi32, #tpu.memory_space<vmem>> -> memref<1x128xi32, #tpu.memory_space<vmem>>
      %dma_wait3A_17 = tpu.memref_squeeze %dma_wait3A_16 : memref<1x128xi32, #tpu.memory_space<vmem>> -> memref<128xi32, #tpu.memory_space<vmem>>
      %dma_wait3A_18 = arith.constant 0 : i32
      %dma_wait3A_19 = arith.constant 0 : i32
      %dma_wait3A_20 = tpu.memref_slice %arg8[%dma_wait3A_18, %dma_wait3A_19] : memref<10112x128xf32, #tpu.memory_space<vmem_shared>> -> memref<10112x128xf32, #tpu.memory_space<vmem_shared>>
      tpu.wait_indirect_dma semaphore(%arg9 : memref<!tpu.dma_semaphore, #tpu.memory_space<semaphore_mem>>) src(%arg7 : memref<128x128xf32, #tpu.memory_space<vmem>>) dst(%dma_wait3A_20 : memref<10112x128xf32, #tpu.memory_space<vmem_shared>>)
    }
    %scan3A_13 = arith.constant 80 : i32
    %barrier3A_14 = arith.constant 0 : index
    tpu.barrier barrier_id(%barrier3A_14)
    "tpu.region"() ({
      %run_scoped3A = tpu.sem_alloc : memref<!tpu.dma_semaphore, #tpu.memory_space<semaphore_mem>>
      %dma_start3A = arith.constant 0 : i32
      %dma_start3A_15 = tpu.memref_slice %arg5[%arg0, %mul3A_2, %dma_start3A] : memref<2x10112x128xf32, #tpu.memory_space<hbm>> -> memref<1x632x128xf32, #tpu.memory_space<hbm>>
      %dma_start3A_16 = tpu.memref_squeeze %dma_start3A_15 : memref<1x632x128xf32, #tpu.memory_space<hbm>> -> memref<632x128xf32, #tpu.memory_space<hbm>>
      %dma_start3A_17 = arith.constant 0 : i32
      %dma_start3A_18 = tpu.memref_slice %arg8[%mul3A_2, %dma_start3A_17] : memref<10112x128xf32, #tpu.memory_space<vmem_shared>> -> memref<632x128xf32, #tpu.memory_space<vmem_shared>>
      tpu.enqueue_dma source(%dma_start3A_18 : memref<632x128xf32, #tpu.memory_space<vmem_shared>>) target(%dma_start3A_16 : memref<632x128xf32, #tpu.memory_space<hbm>>) target_semaphore(%run_scoped3A : memref<!tpu.dma_semaphore, #tpu.memory_space<semaphore_mem>>)
      %dma_wait3A = arith.constant 0 : i32
      %dma_wait3A_19 = tpu.memref_slice %arg5[%arg0, %mul3A_2, %dma_wait3A] : memref<2x10112x128xf32, #tpu.memory_space<hbm>> -> memref<1x632x128xf32, #tpu.memory_space<hbm>>
      %dma_wait3A_20 = tpu.memref_squeeze %dma_wait3A_19 : memref<1x632x128xf32, #tpu.memory_space<hbm>> -> memref<632x128xf32, #tpu.memory_space<hbm>>
      %dma_wait3A_21 = arith.constant 0 : i32
      %dma_wait3A_22 = tpu.memref_slice %arg8[%mul3A_2, %dma_wait3A_21] : memref<10112x128xf32, #tpu.memory_space<vmem_shared>> -> memref<632x128xf32, #tpu.memory_space<vmem_shared>>
      tpu.wait_dma2 semaphore(%run_scoped3A : memref<!tpu.dma_semaphore, #tpu.memory_space<semaphore_mem>>) src(%dma_wait3A_22 : memref<632x128xf32, #tpu.memory_space<vmem_shared>>) dst(%dma_wait3A_20 : memref<632x128xf32, #tpu.memory_space<hbm>>)
      tpu.yield
    }) : () -> ()
    return
  }
}

#map = affine_map<(d0, d1) -> (0, 0)>
#map1 = affine_map<(d0, d1) -> (0, 0, 0)>
module attributes {stable_mosaic.version = 14 : i64} {
  func.func @body(%arg0: i32, %arg1: i32, %arg2: memref<10112x128xf32, #tpu.memory_space<hbm>>, %arg3: memref<32x80x128xi32, #tpu.memory_space<hbm>>, %arg4: memref<32x80x128xi32, #tpu.memory_space<hbm>>, %arg5: memref<632x128xf32, #tpu.memory_space<hbm>>, %arg6: memref<2x10112x128xf32, #tpu.memory_space<hbm>>, %arg7: memref<40x128xi32, #tpu.memory_space<vmem>>, %arg8: memref<40x128xi32, #tpu.memory_space<vmem>>, %arg9: memref<2x128x128xf32, #tpu.memory_space<vmem>>, %arg10: memref<10112x128xf32, #tpu.memory_space<vmem_shared>>, %arg11: memref<!tpu.dma_semaphore, #tpu.memory_space<semaphore_mem>>, %arg12: memref<!tpu.dma_semaphore, #tpu.memory_space<semaphore_mem>>) attributes {dimension_semantics = [#tpu.dimension_semantics<core_parallel>, #tpu.dimension_semantics<subcore_parallel>], iteration_bounds = array<i64: 2, 16>, scalar_prefetch = 0 : i64, scratch_operands = 6 : i64, tpu.core_type = #tpu.core_type<sc_vector_subcore>, window_params = [{transform_indices = #map}, {transform_indices = #map1}, {transform_indices = #map1}, {transform_indices = #map}, {transform_indices = #map1}]} {
    %mul3A = arith.constant 2 : i32
    %mul3A_0 = arith.muli %arg1, %mul3A : i32
    %add3A = arith.addi %mul3A_0, %arg0 : i32
    %mul3A_1 = arith.constant 632 : i32
    %mul3A_2 = arith.muli %arg1, %mul3A_1 : i32
    "tpu.region"() ({
      %run_scoped3A = tpu.sem_alloc : memref<!tpu.dma_semaphore, #tpu.memory_space<semaphore_mem>>
      %dma_start3A = arith.constant 0 : i32
      %dma_start3A_9 = tpu.memref_slice %arg10[%mul3A_2, %dma_start3A] : memref<10112x128xf32, #tpu.memory_space<vmem_shared>> -> memref<632x128xf32, #tpu.memory_space<vmem_shared>>
      tpu.enqueue_dma source(%arg5 : memref<632x128xf32, #tpu.memory_space<hbm>>) target(%dma_start3A_9 : memref<632x128xf32, #tpu.memory_space<vmem_shared>>) target_semaphore(%run_scoped3A : memref<!tpu.dma_semaphore, #tpu.memory_space<semaphore_mem>>)
      %dma_wait3A = arith.constant 0 : i32
      %dma_wait3A_10 = tpu.memref_slice %arg10[%mul3A_2, %dma_wait3A] : memref<10112x128xf32, #tpu.memory_space<vmem_shared>> -> memref<632x128xf32, #tpu.memory_space<vmem_shared>>
      tpu.wait_dma2 semaphore(%run_scoped3A : memref<!tpu.dma_semaphore, #tpu.memory_space<semaphore_mem>>) src(%arg5 : memref<632x128xf32, #tpu.memory_space<hbm>>) dst(%dma_wait3A_10 : memref<632x128xf32, #tpu.memory_space<vmem_shared>>)
      tpu.yield
    }) : () -> ()
    %barrier3A = arith.constant 0 : index
    tpu.barrier barrier_id(%barrier3A)
    %scan3A = arith.constant 0 : i32
    %scan3A_3 = arith.constant 0 : i32
    %scan3A_4 = arith.constant 2 : i32
    %scan3A_5 = arith.addi %scan3A_3, %scan3A_4 : i32
    %scan3A_6 = arith.constant 1 : i32
    scf.for %scan3A_9 = %scan3A_3 to %scan3A_5 step %scan3A_6  : i32 {
      %mul3A_10 = arith.constant 40 : i32
      %mul3A_11 = arith.muli %scan3A_9, %mul3A_10 : i32
      "tpu.region"() ({
        %run_scoped3A = tpu.sem_alloc : memref<!tpu.dma_semaphore, #tpu.memory_space<semaphore_mem>>
        %dma_start3A_31 = arith.constant 0 : i32
        %dma_start3A_32 = tpu.memref_slice %arg3[%add3A, %mul3A_11, %dma_start3A_31] : memref<32x80x128xi32, #tpu.memory_space<hbm>> -> memref<1x40x128xi32, #tpu.memory_space<hbm>>
        %dma_start3A_33 = tpu.memref_squeeze %dma_start3A_32 : memref<1x40x128xi32, #tpu.memory_space<hbm>> -> memref<40x128xi32, #tpu.memory_space<hbm>>
        %dma_start3A_34 = arith.constant 0 : i32
        %dma_start3A_35 = tpu.memref_slice %arg3[%add3A, %mul3A_11, %dma_start3A_34] : memref<32x80x128xi32, #tpu.memory_space<hbm>> -> memref<1x40x128xi32, #tpu.memory_space<hbm>>
        %dma_start3A_36 = tpu.memref_squeeze %dma_start3A_35 : memref<1x40x128xi32, #tpu.memory_space<hbm>> -> memref<40x128xi32, #tpu.memory_space<hbm>>
        tpu.enqueue_dma source(%dma_start3A_36 : memref<40x128xi32, #tpu.memory_space<hbm>>) target(%arg7 : memref<40x128xi32, #tpu.memory_space<vmem>>) target_semaphore(%run_scoped3A : memref<!tpu.dma_semaphore, #tpu.memory_space<semaphore_mem>>)
        %dma_wait3A = arith.constant 0 : i32
        %dma_wait3A_37 = tpu.memref_slice %arg3[%add3A, %mul3A_11, %dma_wait3A] : memref<32x80x128xi32, #tpu.memory_space<hbm>> -> memref<1x40x128xi32, #tpu.memory_space<hbm>>
        %dma_wait3A_38 = tpu.memref_squeeze %dma_wait3A_37 : memref<1x40x128xi32, #tpu.memory_space<hbm>> -> memref<40x128xi32, #tpu.memory_space<hbm>>
        %dma_wait3A_39 = arith.constant 0 : i32
        %dma_wait3A_40 = tpu.memref_slice %arg3[%add3A, %mul3A_11, %dma_wait3A_39] : memref<32x80x128xi32, #tpu.memory_space<hbm>> -> memref<1x40x128xi32, #tpu.memory_space<hbm>>
        %dma_wait3A_41 = tpu.memref_squeeze %dma_wait3A_40 : memref<1x40x128xi32, #tpu.memory_space<hbm>> -> memref<40x128xi32, #tpu.memory_space<hbm>>
        tpu.wait_dma2 semaphore(%run_scoped3A : memref<!tpu.dma_semaphore, #tpu.memory_space<semaphore_mem>>) src(%dma_wait3A_41 : memref<40x128xi32, #tpu.memory_space<hbm>>) dst(%arg7 : memref<40x128xi32, #tpu.memory_space<vmem>>)
        tpu.yield
      }) : () -> ()
      %mul3A_12 = arith.constant 40 : i32
      %mul3A_13 = arith.muli %scan3A_9, %mul3A_12 : i32
      "tpu.region"() ({
        %run_scoped3A = tpu.sem_alloc : memref<!tpu.dma_semaphore, #tpu.memory_space<semaphore_mem>>
        %dma_start3A_31 = arith.constant 0 : i32
        %dma_start3A_32 = tpu.memref_slice %arg4[%add3A, %mul3A_13, %dma_start3A_31] : memref<32x80x128xi32, #tpu.memory_space<hbm>> -> memref<1x40x128xi32, #tpu.memory_space<hbm>>
        %dma_start3A_33 = tpu.memref_squeeze %dma_start3A_32 : memref<1x40x128xi32, #tpu.memory_space<hbm>> -> memref<40x128xi32, #tpu.memory_space<hbm>>
        %dma_start3A_34 = arith.constant 0 : i32
        %dma_start3A_35 = tpu.memref_slice %arg4[%add3A, %mul3A_13, %dma_start3A_34] : memref<32x80x128xi32, #tpu.memory_space<hbm>> -> memref<1x40x128xi32, #tpu.memory_space<hbm>>
        %dma_start3A_36 = tpu.memref_squeeze %dma_start3A_35 : memref<1x40x128xi32, #tpu.memory_space<hbm>> -> memref<40x128xi32, #tpu.memory_space<hbm>>
        tpu.enqueue_dma source(%dma_start3A_36 : memref<40x128xi32, #tpu.memory_space<hbm>>) target(%arg8 : memref<40x128xi32, #tpu.memory_space<vmem>>) target_semaphore(%run_scoped3A : memref<!tpu.dma_semaphore, #tpu.memory_space<semaphore_mem>>)
        %dma_wait3A = arith.constant 0 : i32
        %dma_wait3A_37 = tpu.memref_slice %arg4[%add3A, %mul3A_13, %dma_wait3A] : memref<32x80x128xi32, #tpu.memory_space<hbm>> -> memref<1x40x128xi32, #tpu.memory_space<hbm>>
        %dma_wait3A_38 = tpu.memref_squeeze %dma_wait3A_37 : memref<1x40x128xi32, #tpu.memory_space<hbm>> -> memref<40x128xi32, #tpu.memory_space<hbm>>
        %dma_wait3A_39 = arith.constant 0 : i32
        %dma_wait3A_40 = tpu.memref_slice %arg4[%add3A, %mul3A_13, %dma_wait3A_39] : memref<32x80x128xi32, #tpu.memory_space<hbm>> -> memref<1x40x128xi32, #tpu.memory_space<hbm>>
        %dma_wait3A_41 = tpu.memref_squeeze %dma_wait3A_40 : memref<1x40x128xi32, #tpu.memory_space<hbm>> -> memref<40x128xi32, #tpu.memory_space<hbm>>
        tpu.wait_dma2 semaphore(%run_scoped3A : memref<!tpu.dma_semaphore, #tpu.memory_space<semaphore_mem>>) src(%dma_wait3A_41 : memref<40x128xi32, #tpu.memory_space<hbm>>) dst(%arg8 : memref<40x128xi32, #tpu.memory_space<vmem>>)
        tpu.yield
      }) : () -> ()
      %dma_start3A = arith.constant 0 : i32
      %dma_start3A_14 = arith.constant 0 : i32
      %dma_start3A_15 = arith.constant 0 : i32
      %dma_start3A_16 = arith.constant 0 : i32
      %dma_start3A_17 = tpu.memref_slice %arg9[%dma_start3A_14, %dma_start3A_15, %dma_start3A_16] : memref<2x128x128xf32, #tpu.memory_space<vmem>> -> memref<1x128x128xf32, #tpu.memory_space<vmem>>
      %dma_start3A_18 = tpu.memref_squeeze %dma_start3A_17 : memref<1x128x128xf32, #tpu.memory_space<vmem>> -> memref<128x128xf32, #tpu.memory_space<vmem>>
      %dma_start3A_19 = arith.constant 0 : i32
      %dma_start3A_20 = tpu.memref_slice %arg7[%dma_start3A, %dma_start3A_19] : memref<40x128xi32, #tpu.memory_space<vmem>> -> memref<1x128xi32, #tpu.memory_space<vmem>>
      %dma_start3A_21 = tpu.memref_squeeze %dma_start3A_20 : memref<1x128xi32, #tpu.memory_space<vmem>> -> memref<128xi32, #tpu.memory_space<vmem>>
      %dma_start3A_22 = arith.constant 0 : i32
      %dma_start3A_23 = arith.constant 0 : i32
      %dma_start3A_24 = tpu.memref_slice %arg2[%dma_start3A_22, %dma_start3A_23] : memref<10112x128xf32, #tpu.memory_space<hbm>> -> memref<10112x128xf32, #tpu.memory_space<hbm>>
      tpu.enqueue_indirect_dma source(%dma_start3A_24 : memref<10112x128xf32, #tpu.memory_space<hbm>>) target(%dma_start3A_18 : memref<128x128xf32, #tpu.memory_space<vmem>>) offsets(%dma_start3A_21 : memref<128xi32, #tpu.memory_space<vmem>>) semaphore(%arg11 : memref<!tpu.dma_semaphore, #tpu.memory_space<semaphore_mem>>)
      %scan3A_25 = arith.constant 0 : i32
      %scan3A_26 = arith.constant 0 : i32
      %scan3A_27 = arith.constant 20 : i32
      %scan3A_28 = arith.addi %scan3A_26, %scan3A_27 : i32
      %scan3A_29 = arith.constant 1 : i32
      scf.for %scan3A_31 = %scan3A_26 to %scan3A_28 step %scan3A_29  : i32 {
        %mul3A_32 = arith.constant 2 : i32
        %mul3A_33 = arith.muli %mul3A_32, %scan3A_31 : i32
        %add3A_34 = arith.constant 1 : i32
        %add3A_35 = arith.addi %mul3A_33, %add3A_34 : i32
        %dma_wait3A = arith.constant 0 : i32
        %dma_wait3A_36 = arith.constant 0 : i32
        %dma_wait3A_37 = arith.constant 0 : i32
        %dma_wait3A_38 = tpu.memref_slice %arg9[%dma_wait3A, %dma_wait3A_36, %dma_wait3A_37] : memref<2x128x128xf32, #tpu.memory_space<vmem>> -> memref<1x128x128xf32, #tpu.memory_space<vmem>>
        %dma_wait3A_39 = tpu.memref_squeeze %dma_wait3A_38 : memref<1x128x128xf32, #tpu.memory_space<vmem>> -> memref<128x128xf32, #tpu.memory_space<vmem>>
        %dma_wait3A_40 = arith.constant 0 : i32
        %dma_wait3A_41 = tpu.memref_slice %arg7[%mul3A_33, %dma_wait3A_40] : memref<40x128xi32, #tpu.memory_space<vmem>> -> memref<1x128xi32, #tpu.memory_space<vmem>>
        %dma_wait3A_42 = tpu.memref_squeeze %dma_wait3A_41 : memref<1x128xi32, #tpu.memory_space<vmem>> -> memref<128xi32, #tpu.memory_space<vmem>>
        %dma_wait3A_43 = arith.constant 0 : i32
        %dma_wait3A_44 = arith.constant 0 : i32
        %dma_wait3A_45 = tpu.memref_slice %arg2[%dma_wait3A_43, %dma_wait3A_44] : memref<10112x128xf32, #tpu.memory_space<hbm>> -> memref<10112x128xf32, #tpu.memory_space<hbm>>
        tpu.wait_indirect_dma semaphore(%arg11 : memref<!tpu.dma_semaphore, #tpu.memory_space<semaphore_mem>>) src(%dma_wait3A_45 : memref<10112x128xf32, #tpu.memory_space<hbm>>) dst(%dma_wait3A_39 : memref<128x128xf32, #tpu.memory_space<vmem>>)
        %dma_start3A_46 = arith.constant 1 : i32
        %dma_start3A_47 = arith.constant 0 : i32
        %dma_start3A_48 = arith.constant 0 : i32
        %dma_start3A_49 = tpu.memref_slice %arg9[%dma_start3A_46, %dma_start3A_47, %dma_start3A_48] : memref<2x128x128xf32, #tpu.memory_space<vmem>> -> memref<1x128x128xf32, #tpu.memory_space<vmem>>
        %dma_start3A_50 = tpu.memref_squeeze %dma_start3A_49 : memref<1x128x128xf32, #tpu.memory_space<vmem>> -> memref<128x128xf32, #tpu.memory_space<vmem>>
        %dma_start3A_51 = arith.constant 0 : i32
        %dma_start3A_52 = tpu.memref_slice %arg7[%add3A_35, %dma_start3A_51] : memref<40x128xi32, #tpu.memory_space<vmem>> -> memref<1x128xi32, #tpu.memory_space<vmem>>
        %dma_start3A_53 = tpu.memref_squeeze %dma_start3A_52 : memref<1x128xi32, #tpu.memory_space<vmem>> -> memref<128xi32, #tpu.memory_space<vmem>>
        %dma_start3A_54 = arith.constant 0 : i32
        %dma_start3A_55 = arith.constant 0 : i32
        %dma_start3A_56 = tpu.memref_slice %arg2[%dma_start3A_54, %dma_start3A_55] : memref<10112x128xf32, #tpu.memory_space<hbm>> -> memref<10112x128xf32, #tpu.memory_space<hbm>>
        tpu.enqueue_indirect_dma source(%dma_start3A_56 : memref<10112x128xf32, #tpu.memory_space<hbm>>) target(%dma_start3A_50 : memref<128x128xf32, #tpu.memory_space<vmem>>) offsets(%dma_start3A_53 : memref<128xi32, #tpu.memory_space<vmem>>) semaphore(%arg12 : memref<!tpu.dma_semaphore, #tpu.memory_space<semaphore_mem>>)
        %run_scoped3A = arith.constant 0 : i32
        "tpu.region"() ({
          %run_scoped3A_71 = tpu.sem_alloc : memref<!tpu.dma_semaphore, #tpu.memory_space<semaphore_mem>>
          %dma_start3A_72 = arith.constant 0 : i32
          %dma_start3A_73 = arith.constant 0 : i32
          %dma_start3A_74 = tpu.memref_slice %arg9[%run_scoped3A, %dma_start3A_72, %dma_start3A_73] : memref<2x128x128xf32, #tpu.memory_space<vmem>> -> memref<1x128x128xf32, #tpu.memory_space<vmem>>
          %dma_start3A_75 = tpu.memref_squeeze %dma_start3A_74 : memref<1x128x128xf32, #tpu.memory_space<vmem>> -> memref<128x128xf32, #tpu.memory_space<vmem>>
          %dma_start3A_76 = arith.constant 0 : i32
          %dma_start3A_77 = tpu.memref_slice %arg8[%mul3A_33, %dma_start3A_76] : memref<40x128xi32, #tpu.memory_space<vmem>> -> memref<1x128xi32, #tpu.memory_space<vmem>>
          %dma_start3A_78 = tpu.memref_squeeze %dma_start3A_77 : memref<1x128xi32, #tpu.memory_space<vmem>> -> memref<128xi32, #tpu.memory_space<vmem>>
          %dma_start3A_79 = arith.constant 0 : i32
          %dma_start3A_80 = arith.constant 0 : i32
          %dma_start3A_81 = tpu.memref_slice %arg10[%dma_start3A_79, %dma_start3A_80] : memref<10112x128xf32, #tpu.memory_space<vmem_shared>> -> memref<10112x128xf32, #tpu.memory_space<vmem_shared>>
          tpu.enqueue_indirect_dma source(%dma_start3A_75 : memref<128x128xf32, #tpu.memory_space<vmem>>) target(%dma_start3A_81 : memref<10112x128xf32, #tpu.memory_space<vmem_shared>>) offsets(%dma_start3A_78 : memref<128xi32, #tpu.memory_space<vmem>>) semaphore(%run_scoped3A_71 : memref<!tpu.dma_semaphore, #tpu.memory_space<semaphore_mem>>) {add = true}
          %dma_wait3A_82 = arith.constant 0 : i32
          %dma_wait3A_83 = arith.constant 0 : i32
          %dma_wait3A_84 = tpu.memref_slice %arg9[%run_scoped3A, %dma_wait3A_82, %dma_wait3A_83] : memref<2x128x128xf32, #tpu.memory_space<vmem>> -> memref<1x128x128xf32, #tpu.memory_space<vmem>>
          %dma_wait3A_85 = tpu.memref_squeeze %dma_wait3A_84 : memref<1x128x128xf32, #tpu.memory_space<vmem>> -> memref<128x128xf32, #tpu.memory_space<vmem>>
          %dma_wait3A_86 = arith.constant 0 : i32
          %dma_wait3A_87 = tpu.memref_slice %arg8[%mul3A_33, %dma_wait3A_86] : memref<40x128xi32, #tpu.memory_space<vmem>> -> memref<1x128xi32, #tpu.memory_space<vmem>>
          %dma_wait3A_88 = tpu.memref_squeeze %dma_wait3A_87 : memref<1x128xi32, #tpu.memory_space<vmem>> -> memref<128xi32, #tpu.memory_space<vmem>>
          %dma_wait3A_89 = arith.constant 0 : i32
          %dma_wait3A_90 = arith.constant 0 : i32
          %dma_wait3A_91 = tpu.memref_slice %arg10[%dma_wait3A_89, %dma_wait3A_90] : memref<10112x128xf32, #tpu.memory_space<vmem_shared>> -> memref<10112x128xf32, #tpu.memory_space<vmem_shared>>
          tpu.wait_indirect_dma semaphore(%run_scoped3A_71 : memref<!tpu.dma_semaphore, #tpu.memory_space<semaphore_mem>>) src(%dma_wait3A_85 : memref<128x128xf32, #tpu.memory_space<vmem>>) dst(%dma_wait3A_91 : memref<10112x128xf32, #tpu.memory_space<vmem_shared>>)
          tpu.yield
        }) : () -> ()
        %dma_wait3A_57 = arith.constant 1 : i32
        %dma_wait3A_58 = arith.constant 0 : i32
        %dma_wait3A_59 = arith.constant 0 : i32
        %dma_wait3A_60 = tpu.memref_slice %arg9[%dma_wait3A_57, %dma_wait3A_58, %dma_wait3A_59] : memref<2x128x128xf32, #tpu.memory_space<vmem>> -> memref<1x128x128xf32, #tpu.memory_space<vmem>>
        %dma_wait3A_61 = tpu.memref_squeeze %dma_wait3A_60 : memref<1x128x128xf32, #tpu.memory_space<vmem>> -> memref<128x128xf32, #tpu.memory_space<vmem>>
        %dma_wait3A_62 = arith.constant 0 : i32
        %dma_wait3A_63 = tpu.memref_slice %arg7[%add3A_35, %dma_wait3A_62] : memref<40x128xi32, #tpu.memory_space<vmem>> -> memref<1x128xi32, #tpu.memory_space<vmem>>
        %dma_wait3A_64 = tpu.memref_squeeze %dma_wait3A_63 : memref<1x128xi32, #tpu.memory_space<vmem>> -> memref<128xi32, #tpu.memory_space<vmem>>
        %dma_wait3A_65 = arith.constant 0 : i32
        %dma_wait3A_66 = arith.constant 0 : i32
        %dma_wait3A_67 = tpu.memref_slice %arg2[%dma_wait3A_65, %dma_wait3A_66] : memref<10112x128xf32, #tpu.memory_space<hbm>> -> memref<10112x128xf32, #tpu.memory_space<hbm>>
        tpu.wait_indirect_dma semaphore(%arg12 : memref<!tpu.dma_semaphore, #tpu.memory_space<semaphore_mem>>) src(%dma_wait3A_67 : memref<10112x128xf32, #tpu.memory_space<hbm>>) dst(%dma_wait3A_61 : memref<128x128xf32, #tpu.memory_space<vmem>>)
        %lt3A = arith.constant 19 : i32
        %lt3A_68 = arith.cmpi slt, %scan3A_31, %lt3A : i32
        %convert_element_type3A = arith.extui %lt3A_68 : i1 to i32
        %cond3A = arith.constant 0 : i32
        %cond3A_69 = arith.cmpi ne, %convert_element_type3A, %cond3A : i32
        scf.if %cond3A_69 {
          %add3A_71 = arith.constant 2 : i32
          %add3A_72 = arith.addi %mul3A_33, %add3A_71 : i32
          %dma_start3A_73 = arith.constant 0 : i32
          %dma_start3A_74 = arith.constant 0 : i32
          %dma_start3A_75 = arith.constant 0 : i32
          %dma_start3A_76 = tpu.memref_slice %arg9[%dma_start3A_73, %dma_start3A_74, %dma_start3A_75] : memref<2x128x128xf32, #tpu.memory_space<vmem>> -> memref<1x128x128xf32, #tpu.memory_space<vmem>>
          %dma_start3A_77 = tpu.memref_squeeze %dma_start3A_76 : memref<1x128x128xf32, #tpu.memory_space<vmem>> -> memref<128x128xf32, #tpu.memory_space<vmem>>
          %dma_start3A_78 = arith.constant 0 : i32
          %dma_start3A_79 = tpu.memref_slice %arg7[%add3A_72, %dma_start3A_78] : memref<40x128xi32, #tpu.memory_space<vmem>> -> memref<1x128xi32, #tpu.memory_space<vmem>>
          %dma_start3A_80 = tpu.memref_squeeze %dma_start3A_79 : memref<1x128xi32, #tpu.memory_space<vmem>> -> memref<128xi32, #tpu.memory_space<vmem>>
          %dma_start3A_81 = arith.constant 0 : i32
          %dma_start3A_82 = arith.constant 0 : i32
          %dma_start3A_83 = tpu.memref_slice %arg2[%dma_start3A_81, %dma_start3A_82] : memref<10112x128xf32, #tpu.memory_space<hbm>> -> memref<10112x128xf32, #tpu.memory_space<hbm>>
          tpu.enqueue_indirect_dma source(%dma_start3A_83 : memref<10112x128xf32, #tpu.memory_space<hbm>>) target(%dma_start3A_77 : memref<128x128xf32, #tpu.memory_space<vmem>>) offsets(%dma_start3A_80 : memref<128xi32, #tpu.memory_space<vmem>>) semaphore(%arg11 : memref<!tpu.dma_semaphore, #tpu.memory_space<semaphore_mem>>)
        } else {
        }
        %run_scoped3A_70 = arith.constant 1 : i32
        "tpu.region"() ({
          %run_scoped3A_71 = tpu.sem_alloc : memref<!tpu.dma_semaphore, #tpu.memory_space<semaphore_mem>>
          %dma_start3A_72 = arith.constant 0 : i32
          %dma_start3A_73 = arith.constant 0 : i32
          %dma_start3A_74 = tpu.memref_slice %arg9[%run_scoped3A_70, %dma_start3A_72, %dma_start3A_73] : memref<2x128x128xf32, #tpu.memory_space<vmem>> -> memref<1x128x128xf32, #tpu.memory_space<vmem>>
          %dma_start3A_75 = tpu.memref_squeeze %dma_start3A_74 : memref<1x128x128xf32, #tpu.memory_space<vmem>> -> memref<128x128xf32, #tpu.memory_space<vmem>>
          %dma_start3A_76 = arith.constant 0 : i32
          %dma_start3A_77 = tpu.memref_slice %arg8[%add3A_35, %dma_start3A_76] : memref<40x128xi32, #tpu.memory_space<vmem>> -> memref<1x128xi32, #tpu.memory_space<vmem>>
          %dma_start3A_78 = tpu.memref_squeeze %dma_start3A_77 : memref<1x128xi32, #tpu.memory_space<vmem>> -> memref<128xi32, #tpu.memory_space<vmem>>
          %dma_start3A_79 = arith.constant 0 : i32
          %dma_start3A_80 = arith.constant 0 : i32
          %dma_start3A_81 = tpu.memref_slice %arg10[%dma_start3A_79, %dma_start3A_80] : memref<10112x128xf32, #tpu.memory_space<vmem_shared>> -> memref<10112x128xf32, #tpu.memory_space<vmem_shared>>
          tpu.enqueue_indirect_dma source(%dma_start3A_75 : memref<128x128xf32, #tpu.memory_space<vmem>>) target(%dma_start3A_81 : memref<10112x128xf32, #tpu.memory_space<vmem_shared>>) offsets(%dma_start3A_78 : memref<128xi32, #tpu.memory_space<vmem>>) semaphore(%run_scoped3A_71 : memref<!tpu.dma_semaphore, #tpu.memory_space<semaphore_mem>>) {add = true}
          %dma_wait3A_82 = arith.constant 0 : i32
          %dma_wait3A_83 = arith.constant 0 : i32
          %dma_wait3A_84 = tpu.memref_slice %arg9[%run_scoped3A_70, %dma_wait3A_82, %dma_wait3A_83] : memref<2x128x128xf32, #tpu.memory_space<vmem>> -> memref<1x128x128xf32, #tpu.memory_space<vmem>>
          %dma_wait3A_85 = tpu.memref_squeeze %dma_wait3A_84 : memref<1x128x128xf32, #tpu.memory_space<vmem>> -> memref<128x128xf32, #tpu.memory_space<vmem>>
          %dma_wait3A_86 = arith.constant 0 : i32
          %dma_wait3A_87 = tpu.memref_slice %arg8[%add3A_35, %dma_wait3A_86] : memref<40x128xi32, #tpu.memory_space<vmem>> -> memref<1x128xi32, #tpu.memory_space<vmem>>
          %dma_wait3A_88 = tpu.memref_squeeze %dma_wait3A_87 : memref<1x128xi32, #tpu.memory_space<vmem>> -> memref<128xi32, #tpu.memory_space<vmem>>
          %dma_wait3A_89 = arith.constant 0 : i32
          %dma_wait3A_90 = arith.constant 0 : i32
          %dma_wait3A_91 = tpu.memref_slice %arg10[%dma_wait3A_89, %dma_wait3A_90] : memref<10112x128xf32, #tpu.memory_space<vmem_shared>> -> memref<10112x128xf32, #tpu.memory_space<vmem_shared>>
          tpu.wait_indirect_dma semaphore(%run_scoped3A_71 : memref<!tpu.dma_semaphore, #tpu.memory_space<semaphore_mem>>) src(%dma_wait3A_85 : memref<128x128xf32, #tpu.memory_space<vmem>>) dst(%dma_wait3A_91 : memref<10112x128xf32, #tpu.memory_space<vmem_shared>>)
          tpu.yield
        }) : () -> ()
      }
      %scan3A_30 = arith.constant 20 : i32
    }
    %scan3A_7 = arith.constant 2 : i32
    %barrier3A_8 = arith.constant 0 : index
    tpu.barrier barrier_id(%barrier3A_8)
    "tpu.region"() ({
      %run_scoped3A = tpu.sem_alloc : memref<!tpu.dma_semaphore, #tpu.memory_space<semaphore_mem>>
      %dma_start3A = arith.constant 0 : i32
      %dma_start3A_9 = tpu.memref_slice %arg6[%arg0, %mul3A_2, %dma_start3A] : memref<2x10112x128xf32, #tpu.memory_space<hbm>> -> memref<1x632x128xf32, #tpu.memory_space<hbm>>
      %dma_start3A_10 = tpu.memref_squeeze %dma_start3A_9 : memref<1x632x128xf32, #tpu.memory_space<hbm>> -> memref<632x128xf32, #tpu.memory_space<hbm>>
      %dma_start3A_11 = arith.constant 0 : i32
      %dma_start3A_12 = tpu.memref_slice %arg10[%mul3A_2, %dma_start3A_11] : memref<10112x128xf32, #tpu.memory_space<vmem_shared>> -> memref<632x128xf32, #tpu.memory_space<vmem_shared>>
      tpu.enqueue_dma source(%dma_start3A_12 : memref<632x128xf32, #tpu.memory_space<vmem_shared>>) target(%dma_start3A_10 : memref<632x128xf32, #tpu.memory_space<hbm>>) target_semaphore(%run_scoped3A : memref<!tpu.dma_semaphore, #tpu.memory_space<semaphore_mem>>)
      %dma_wait3A = arith.constant 0 : i32
      %dma_wait3A_13 = tpu.memref_slice %arg6[%arg0, %mul3A_2, %dma_wait3A] : memref<2x10112x128xf32, #tpu.memory_space<hbm>> -> memref<1x632x128xf32, #tpu.memory_space<hbm>>
      %dma_wait3A_14 = tpu.memref_squeeze %dma_wait3A_13 : memref<1x632x128xf32, #tpu.memory_space<hbm>> -> memref<632x128xf32, #tpu.memory_space<hbm>>
      %dma_wait3A_15 = arith.constant 0 : i32
      %dma_wait3A_16 = tpu.memref_slice %arg10[%mul3A_2, %dma_wait3A_15] : memref<10112x128xf32, #tpu.memory_space<vmem_shared>> -> memref<632x128xf32, #tpu.memory_space<vmem_shared>>
      tpu.wait_dma2 semaphore(%run_scoped3A : memref<!tpu.dma_semaphore, #tpu.memory_space<semaphore_mem>>) src(%dma_wait3A_16 : memref<632x128xf32, #tpu.memory_space<vmem_shared>>) dst(%dma_wait3A_14 : memref<632x128xf32, #tpu.memory_space<hbm>>)
      tpu.yield
    }) : () -> ()
    return
  }
}

module attributes {stable_mosaic.version = 14 : i64} {
  func.func @_mm_in_body(%arg0: i32, %arg1: memref<632x128xf32, #tpu.memory_space<vmem>>, %arg2: memref<128x128xf32, #tpu.memory_space<vmem>>, %arg3: memref<632x128xf32, #tpu.memory_space<vmem>>) attributes {dimension_semantics = [#tpu.dimension_semantics<arbitrary>], iteration_bounds = array<i64: 16>, scalar_prefetch = 0 : i64, scratch_operands = 0 : i64, tpu.core_type = #tpu.core_type<tc>, window_params = [{transform_indices = @transform_0, window_bounds = array<i64: 632, 128>}, {pipeline_mode = #tpu.pipeline_mode<synchronous>, transform_indices = @transform_1, window_bounds = array<i64: 128, 128>}, {transform_indices = @transform_2, window_bounds = array<i64: 632, 128>}]} {
    %get3A = arith.constant 0 : index
    %get3A_0 = arith.constant 0 : index
    %get3A_1 = vector.load %arg1[%get3A, %get3A_0] : memref<632x128xf32, #tpu.memory_space<vmem>>, vector<632x128xf32>
    %get3A_2 = arith.constant 0 : index
    %get3A_3 = arith.constant 0 : index
    %get3A_4 = vector.load %arg2[%get3A_2, %get3A_3] : memref<128x128xf32, #tpu.memory_space<vmem>>, vector<128x128xf32>
    %dot_general3A = arith.constant dense<0.000000e+00> : vector<632x128xf32>
    %dot_general3A_5 = tpu.matmul %get3A_1, %get3A_4, %dot_general3A {dimension_numbers = #tpu.dot_dimension_numbers<[1], [0], [0], [1], [0, 0, 1, 1], [], []>, transpose_lhs_hint = false} : vector<632x128xf32>, vector<128x128xf32>, vector<632x128xf32> -> vector<632x128xf32>
    %swap3A = arith.constant 0 : index
    %swap3A_6 = arith.constant 0 : index
    %swap3A_7 = vector.load %arg3[%swap3A, %swap3A_6] : memref<632x128xf32, #tpu.memory_space<vmem>>, vector<632x128xf32>
    tpu.vector_store %arg3[%swap3A, %swap3A_6], %dot_general3A_5 {strides = array<i32>} : memref<632x128xf32, #tpu.memory_space<vmem>>, vector<632x128xf32>,
    return
  }
  func.func @transform_0(%arg0: i32) -> (i32, i32) {
    %c0_i32 = arith.constant 0 : i32
    %c0_i32_0 = arith.constant 0 : i32
    return %arg0, %c0_i32 : i32, i32
  }
  func.func @transform_1(%arg0: i32) -> (i32, i32) {
    %c0_i32 = arith.constant 0 : i32
    %c0_i32_0 = arith.constant 0 : i32
    %c0_i32_1 = arith.constant 0 : i32
    return %c0_i32, %c0_i32_0 : i32, i32
  }
  func.func @transform_2(%arg0: i32) -> (i32, i32) {
    %c0_i32 = arith.constant 0 : i32
    %c0_i32_0 = arith.constant 0 : i32
    return %arg0, %c0_i32 : i32, i32
  }
}

module attributes {stable_mosaic.version = 14 : i64} {
  func.func @_final_body(%arg0: i32, %arg1: memref<2x1000x128xf32, #tpu.memory_space<vmem>>, %arg2: memref<2x1000x128xf32, #tpu.memory_space<vmem>>, %arg3: memref<1000x128xf32, #tpu.memory_space<vmem>>, %arg4: memref<128x128xf32, #tpu.memory_space<vmem>>, %arg5: memref<128x128xf32, #tpu.memory_space<vmem>>, %arg6: memref<128x128xf32, #tpu.memory_space<vmem>>, %arg7: memref<1000x128xf32, #tpu.memory_space<vmem>>) attributes {dimension_semantics = [#tpu.dimension_semantics<arbitrary>], iteration_bounds = array<i64: 10>, scalar_prefetch = 0 : i64, scratch_operands = 0 : i64, tpu.core_type = #tpu.core_type<tc>, window_params = [{transform_indices = @transform_0, window_bounds = array<i64: 2, 1000, 128>}, {transform_indices = @transform_1, window_bounds = array<i64: 2, 1000, 128>}, {transform_indices = @transform_2, window_bounds = array<i64: 1000, 128>}, {pipeline_mode = #tpu.pipeline_mode<synchronous>, transform_indices = @transform_3, window_bounds = array<i64: 128, 128>}, {pipeline_mode = #tpu.pipeline_mode<synchronous>, transform_indices = @transform_4, window_bounds = array<i64: 128, 128>}, {pipeline_mode = #tpu.pipeline_mode<synchronous>, transform_indices = @transform_5, window_bounds = array<i64: 128, 128>}, {transform_indices = @transform_6, window_bounds = array<i64: 1000, 128>}]} {
    %get3A = arith.constant 0 : index
    %get3A_0 = arith.constant 0 : index
    %get3A_1 = arith.constant 0 : index
    %get3A_2 = vector.load %arg2[%get3A, %get3A_0, %get3A_1] : memref<2x1000x128xf32, #tpu.memory_space<vmem>>, vector<1x1000x1xf32>
    %get3A_3 = vector.shape_cast %get3A_2 : vector<1x1000x1xf32> to vector<1000x1xf32>
    %get3A_4 = arith.constant 1 : index
    %get3A_5 = arith.constant 0 : index
    %get3A_6 = arith.constant 0 : index
    %get3A_7 = vector.load %arg2[%get3A_4, %get3A_5, %get3A_6] : memref<2x1000x128xf32, #tpu.memory_space<vmem>>, vector<1x1000x1xf32>
    %get3A_8 = vector.shape_cast %get3A_7 : vector<1x1000x1xf32> to vector<1000x1xf32>
    %add3A = arith.addf %get3A_3, %get3A_8 : vector<1000x1xf32>
    %max3A = arith.constant 1.000000e+00 : f32
    %max3A_9 = vector.broadcast %max3A : f32 to vector<1000x1xf32>
    %max3A_10 = arith.maximumf %add3A, %max3A_9 : vector<1000x1xf32>
    %get3A_11 = arith.constant 0 : index
    %get3A_12 = arith.constant 0 : index
    %get3A_13 = arith.constant 0 : index
    %get3A_14 = vector.load %arg1[%get3A_11, %get3A_12, %get3A_13] : memref<2x1000x128xf32, #tpu.memory_space<vmem>>, vector<1x1000x128xf32>
    %get3A_15 = vector.shape_cast %get3A_14 : vector<1x1000x128xf32> to vector<1000x128xf32>
    %get3A_16 = arith.constant 1 : index
    %get3A_17 = arith.constant 0 : index
    %get3A_18 = arith.constant 0 : index
    %get3A_19 = vector.load %arg1[%get3A_16, %get3A_17, %get3A_18] : memref<2x1000x128xf32, #tpu.memory_space<vmem>>, vector<1x1000x128xf32>
    %get3A_20 = vector.shape_cast %get3A_19 : vector<1x1000x128xf32> to vector<1000x128xf32>
    %add3A_21 = arith.addf %get3A_15, %get3A_20 : vector<1000x128xf32>
    %div3A = vector.broadcast %max3A_10 : vector<1000x1xf32> to vector<1000x128xf32>
    %div3A_22 = arith.divf %add3A_21, %div3A : vector<1000x128xf32>
    %get3A_23 = arith.constant 0 : index
    %get3A_24 = arith.constant 0 : index
    %get3A_25 = vector.load %arg4[%get3A_23, %get3A_24] : memref<128x128xf32, #tpu.memory_space<vmem>>, vector<128x128xf32>
    %get3A_26 = arith.constant 0 : index
    %get3A_27 = arith.constant 0 : index
    %get3A_28 = vector.load %arg5[%get3A_26, %get3A_27] : memref<128x128xf32, #tpu.memory_space<vmem>>, vector<128x128xf32>
    %dot_general3A = arith.constant dense<0.000000e+00> : vector<128x128xf32>
    %dot_general3A_29 = tpu.matmul %get3A_25, %get3A_28, %dot_general3A {dimension_numbers = #tpu.dot_dimension_numbers<[1], [0], [0], [1], [0, 0, 1, 1], [], []>, transpose_lhs_hint = false} : vector<128x128xf32>, vector<128x128xf32>, vector<128x128xf32> -> vector<128x128xf32>
    %dot_general3A_30 = arith.constant dense<0.000000e+00> : vector<1000x128xf32>
    %dot_general3A_31 = tpu.matmul %div3A_22, %dot_general3A_29, %dot_general3A_30 {dimension_numbers = #tpu.dot_dimension_numbers<[1], [0], [0], [1], [0, 0, 1, 1], [], []>, transpose_lhs_hint = false} : vector<1000x128xf32>, vector<128x128xf32>, vector<1000x128xf32> -> vector<1000x128xf32>
    %max3A_32 = arith.constant 0.000000e+00 : f32
    %max3A_33 = vector.broadcast %max3A_32 : f32 to vector<1000x128xf32>
    %max3A_34 = arith.maximumf %dot_general3A_31, %max3A_33 : vector<1000x128xf32>
    %get3A_35 = arith.constant 0 : index
    %get3A_36 = arith.constant 0 : index
    %get3A_37 = vector.load %arg3[%get3A_35, %get3A_36] : memref<1000x128xf32, #tpu.memory_space<vmem>>, vector<1000x128xf32>
    %add3A_38 = arith.addf %get3A_37, %max3A_34 : vector<1000x128xf32>
    %get3A_39 = arith.constant 0 : index
    %get3A_40 = arith.constant 0 : index
    %get3A_41 = vector.load %arg6[%get3A_39, %get3A_40] : memref<128x128xf32, #tpu.memory_space<vmem>>, vector<128x128xf32>
    %dot_general3A_42 = arith.constant dense<0.000000e+00> : vector<1000x128xf32>
    %dot_general3A_43 = tpu.matmul %add3A_38, %get3A_41, %dot_general3A_42 {dimension_numbers = #tpu.dot_dimension_numbers<[1], [0], [0], [1], [0, 0, 1, 1], [], []>, transpose_lhs_hint = false} : vector<1000x128xf32>, vector<128x128xf32>, vector<1000x128xf32> -> vector<1000x128xf32>
    %max3A_44 = arith.constant 0.000000e+00 : f32
    %max3A_45 = vector.broadcast %max3A_44 : f32 to vector<1000x128xf32>
    %max3A_46 = arith.maximumf %dot_general3A_43, %max3A_45 : vector<1000x128xf32>
    %swap3A = arith.constant 0 : index
    %swap3A_47 = arith.constant 0 : index
    %swap3A_48 = vector.load %arg7[%swap3A, %swap3A_47] : memref<1000x128xf32, #tpu.memory_space<vmem>>, vector<1000x128xf32>
    tpu.vector_store %arg7[%swap3A, %swap3A_47], %max3A_46 {strides = array<i32>} : memref<1000x128xf32, #tpu.memory_space<vmem>>, vector<1000x128xf32>,
    return
  }
  func.func @transform_0(%arg0: i32) -> (i32, i32, i32) {
    %c0_i32 = arith.constant 0 : i32
    %c0_i32_0 = arith.constant 0 : i32
    %c0_i32_1 = arith.constant 0 : i32
    return %c0_i32, %arg0, %c0_i32_0 : i32, i32, i32
  }
  func.func @transform_1(%arg0: i32) -> (i32, i32, i32) {
    %c0_i32 = arith.constant 0 : i32
    %c0_i32_0 = arith.constant 0 : i32
    %c0_i32_1 = arith.constant 0 : i32
    return %c0_i32, %arg0, %c0_i32_0 : i32, i32, i32
  }
  func.func @transform_2(%arg0: i32) -> (i32, i32) {
    %c0_i32 = arith.constant 0 : i32
    %c0_i32_0 = arith.constant 0 : i32
    return %arg0, %c0_i32 : i32, i32
  }
  func.func @transform_3(%arg0: i32) -> (i32, i32) {
    %c0_i32 = arith.constant 0 : i32
    %c0_i32_0 = arith.constant 0 : i32
    %c0_i32_1 = arith.constant 0 : i32
    return %c0_i32, %c0_i32_0 : i32, i32
  }
  func.func @transform_4(%arg0: i32) -> (i32, i32) {
    %c0_i32 = arith.constant 0 : i32
    %c0_i32_0 = arith.constant 0 : i32
    %c0_i32_1 = arith.constant 0 : i32
    return %c0_i32, %c0_i32_0 : i32, i32
  }
  func.func @transform_5(%arg0: i32) -> (i32, i32) {
    %c0_i32 = arith.constant 0 : i32
    %c0_i32_0 = arith.constant 0 : i32
    %c0_i32_1 = arith.constant 0 : i32
    return %c0_i32, %c0_i32_0 : i32, i32
  }
  func.func @transform_6(%arg0: i32) -> (i32, i32) {
    %c0_i32 = arith.constant 0 : i32
    %c0_i32_0 = arith.constant 0 : i32
    return %arg0, %c0_i32 : i32, i32
  }
}

module attributes {stable_mosaic.version = 14 : i64} {
  func.func @_layer_body(%arg0: i32, %arg1: memref<2x632x128xf32, #tpu.memory_space<vmem>>, %arg2: memref<2x632x128xf32, #tpu.memory_space<vmem>>, %arg3: memref<128x128xf32, #tpu.memory_space<vmem>>, %arg4: memref<128x128xf32, #tpu.memory_space<vmem>>, %arg5: memref<632x128xf32, #tpu.memory_space<vmem>>) attributes {dimension_semantics = [#tpu.dimension_semantics<arbitrary>], iteration_bounds = array<i64: 16>, scalar_prefetch = 0 : i64, scratch_operands = 0 : i64, tpu.core_type = #tpu.core_type<tc>, window_params = [{transform_indices = @transform_0, window_bounds = array<i64: 2, 632, 128>}, {transform_indices = @transform_1, window_bounds = array<i64: 2, 632, 128>}, {pipeline_mode = #tpu.pipeline_mode<synchronous>, transform_indices = @transform_2, window_bounds = array<i64: 128, 128>}, {pipeline_mode = #tpu.pipeline_mode<synchronous>, transform_indices = @transform_3, window_bounds = array<i64: 128, 128>}, {transform_indices = @transform_4, window_bounds = array<i64: 632, 128>}]} {
    %get3A = arith.constant 0 : index
    %get3A_0 = arith.constant 0 : index
    %get3A_1 = arith.constant 0 : index
    %get3A_2 = vector.load %arg2[%get3A, %get3A_0, %get3A_1] : memref<2x632x128xf32, #tpu.memory_space<vmem>>, vector<1x632x1xf32>
    %get3A_3 = vector.shape_cast %get3A_2 : vector<1x632x1xf32> to vector<632x1xf32>
    %get3A_4 = arith.constant 1 : index
    %get3A_5 = arith.constant 0 : index
    %get3A_6 = arith.constant 0 : index
    %get3A_7 = vector.load %arg2[%get3A_4, %get3A_5, %get3A_6] : memref<2x632x128xf32, #tpu.memory_space<vmem>>, vector<1x632x1xf32>
    %get3A_8 = vector.shape_cast %get3A_7 : vector<1x632x1xf32> to vector<632x1xf32>
    %add3A = arith.addf %get3A_3, %get3A_8 : vector<632x1xf32>
    %max3A = arith.constant 1.000000e+00 : f32
    %max3A_9 = vector.broadcast %max3A : f32 to vector<632x1xf32>
    %max3A_10 = arith.maximumf %add3A, %max3A_9 : vector<632x1xf32>
    %get3A_11 = arith.constant 0 : index
    %get3A_12 = arith.constant 0 : index
    %get3A_13 = arith.constant 0 : index
    %get3A_14 = vector.load %arg1[%get3A_11, %get3A_12, %get3A_13] : memref<2x632x128xf32, #tpu.memory_space<vmem>>, vector<1x632x128xf32>
    %get3A_15 = vector.shape_cast %get3A_14 : vector<1x632x128xf32> to vector<632x128xf32>
    %get3A_16 = arith.constant 1 : index
    %get3A_17 = arith.constant 0 : index
    %get3A_18 = arith.constant 0 : index
    %get3A_19 = vector.load %arg1[%get3A_16, %get3A_17, %get3A_18] : memref<2x632x128xf32, #tpu.memory_space<vmem>>, vector<1x632x128xf32>
    %get3A_20 = vector.shape_cast %get3A_19 : vector<1x632x128xf32> to vector<632x128xf32>
    %add3A_21 = arith.addf %get3A_15, %get3A_20 : vector<632x128xf32>
    %div3A = vector.broadcast %max3A_10 : vector<632x1xf32> to vector<632x128xf32>
    %div3A_22 = arith.divf %add3A_21, %div3A : vector<632x128xf32>
    %get3A_23 = arith.constant 0 : index
    %get3A_24 = arith.constant 0 : index
    %get3A_25 = vector.load %arg3[%get3A_23, %get3A_24] : memref<128x128xf32, #tpu.memory_space<vmem>>, vector<128x128xf32>
    %get3A_26 = arith.constant 0 : index
    %get3A_27 = arith.constant 0 : index
    %get3A_28 = vector.load %arg4[%get3A_26, %get3A_27] : memref<128x128xf32, #tpu.memory_space<vmem>>, vector<128x128xf32>
    %dot_general3A = arith.constant dense<0.000000e+00> : vector<128x128xf32>
    %dot_general3A_29 = tpu.matmul %get3A_25, %get3A_28, %dot_general3A {dimension_numbers = #tpu.dot_dimension_numbers<[1], [0], [0], [1], [0, 0, 1, 1], [], []>, transpose_lhs_hint = false} : vector<128x128xf32>, vector<128x128xf32>, vector<128x128xf32> -> vector<128x128xf32>
    %dot_general3A_30 = arith.constant dense<0.000000e+00> : vector<632x128xf32>
    %dot_general3A_31 = tpu.matmul %div3A_22, %dot_general3A_29, %dot_general3A_30 {dimension_numbers = #tpu.dot_dimension_numbers<[1], [0], [0], [1], [0, 0, 1, 1], [], []>, transpose_lhs_hint = false} : vector<632x128xf32>, vector<128x128xf32>, vector<632x128xf32> -> vector<632x128xf32>
    %max3A_32 = arith.constant 0.000000e+00 : f32
    %max3A_33 = vector.broadcast %max3A_32 : f32 to vector<632x128xf32>
    %max3A_34 = arith.maximumf %dot_general3A_31, %max3A_33 : vector<632x128xf32>
    %swap3A = arith.constant 0 : index
    %swap3A_35 = arith.constant 0 : index
    %swap3A_36 = vector.load %arg5[%swap3A, %swap3A_35] : memref<632x128xf32, #tpu.memory_space<vmem>>, vector<632x128xf32>
    tpu.vector_store %arg5[%swap3A, %swap3A_35], %max3A_34 {strides = array<i32>} : memref<632x128xf32, #tpu.memory_space<vmem>>, vector<632x128xf32>,
    return
  }
  func.func @transform_0(%arg0: i32) -> (i32, i32, i32) {
    %c0_i32 = arith.constant 0 : i32
    %c0_i32_0 = arith.constant 0 : i32
    %c0_i32_1 = arith.constant 0 : i32
    return %c0_i32, %arg0, %c0_i32_0 : i32, i32, i32
  }
  func.func @transform_1(%arg0: i32) -> (i32, i32, i32) {
    %c0_i32 = arith.constant 0 : i32
    %c0_i32_0 = arith.constant 0 : i32
    %c0_i32_1 = arith.constant 0 : i32
    return %c0_i32, %arg0, %c0_i32_0 : i32, i32, i32
  }
  func.func @transform_2(%arg0: i32) -> (i32, i32) {
    %c0_i32 = arith.constant 0 : i32
    %c0_i32_0 = arith.constant 0 : i32
    %c0_i32_1 = arith.constant 0 : i32
    return %c0_i32, %c0_i32_0 : i32, i32
  }
  func.func @transform_3(%arg0: i32) -> (i32, i32) {
    %c0_i32 = arith.constant 0 : i32
    %c0_i32_0 = arith.constant 0 : i32
    %c0_i32_1 = arith.constant 0 : i32
    return %c0_i32, %c0_i32_0 : i32, i32
  }
  func.func @transform_4(%arg0: i32) -> (i32, i32) {
    %c0_i32 = arith.constant 0 : i32
    %c0_i32_0 = arith.constant 0 : i32
    return %arg0, %c0_i32 : i32, i32
  }
}

</mosaic_0001>

<sc_bundles>
// kernel: kernel.11.cloned.1.call-start
scs
__scs_entry_jumppad:
0x0: {  	(pc) =	sbr.rel $0x88, $3  }
0x1: {  	(tag) =	ssettag $0x0;
	lr =	simm.s32 $0x1  }
0x2: {  	[smem:$0x3F99] =	sst lr;
	_ =	strace $0xD0000000  }
0x3: {  	_ = 	snop  }
0x4: {  	_ = 	snop  }
0x5: {  	_ = 	snop  }
0x6: {  	_ = 	snop  }
0x7: {  	_ = 	snop  }
__scs_overlays_trampoline_lowered:
0x8: {  	[smem:$0x3FA8] =	sst s0  }
0x9: {  	[smem:$0x3FA9] =	sst s1  }
0xa: {  	[smem:$0x3FAA] =	sst s2  }
0xb: {  	[smem:$0x3FAB] =	sst s3  }
0xc: {  	[smem:$0x3FAC] =	sst s4  }
0xd: {  	[smem:$0x3FAD] =	sst s5  }
0xe: {  	[smem:$0x3FAE] =	sst s6  }
0xf: {  	[smem:$0x3FAF] =	sst s7  }
0x10: {  	[smem:$0x3FB0] =	sst s8  }
0x11: {  	[smem:$0x3FB1] =	sst s9;
	s0 =	simm.s32 @!p0 $0x0  }
0x12: {  	s1 =	sld [smem:$0x3F97];
	s0 =	simm.s32 @p0 $0x1  }
0x13: {  	[smem:$0x3FB2] =	sst s0;
	s0 =	simm.s32 @!p1 $0x0  }
0x14: {  	s2 =	sld [smem:$0x3F96];
	s0 =	simm.s32 @p1 $0x1  }
0x15: {  	[smem:$0x3FB3] =	sst s0;
	s0 =	simm.s32 @!p2 $0x0  }
0x16: {  	s3 =	sld [smem:$0x3FDB];
	s0 =	simm.s32 @p2 $0x1  }
0x17: {  	s4 =	simm.s32 $0x1BF5;
	[smem:$0x3FB5] =	sst s0  }
0x18: {  	s0 =	sld [smem:$0x3F98];
	_ =	swait.ge [sflag:s4], $0x0  }
0x19: {  	s7 =	sld [smem:$0x3F99]  }
0x1a: {  	s8 =	sadd.s32 $0xFFFFE003, lr  }
0x1b: {  	s9 =	sadd.s32 $0xFFFFFEF7, lr;
	s5 =	simm.s32 $0xFFFFFFFF;
	p2 =	slt.u32 s8, $0xFFFFF086  }
0x1c: {  	p1 =	slt.u32 s9, $0xF7A;
	s5 =	simm.s32 @!p2 $0x0  }
0x1d: {  	s5 =	simm.s32 @p1 $0x1;
	p0 =	seq.s32 s7, s2  }
0x1e: {  	s7 =	smul.u32 @!p0 $0xF7A, s2;
	p2 =	seq.s32 @!p0 s5, $0x0  }
0x1f: {  	s9 =	smul.u32 $0xF7A, s1;
	s8 =	simm.s32 @!p0 $0x1BF5;
	p2 =	por !p2, p0  }
0x20: {  	[sflag:s8] =	ssyncset.s32 @!p0 $0xFFFFF086;
	s6 =	sadd.s32 @!p0 s3, s7;
	s7 =	simm.s32 @!p0 $0x108  }
0x21: {  	s3 =	sadd.s32 s3, s9;
	s6 =	sadd.s32 @!p0 $0x88, s6;
	s7 =	simm.s32 @p2 $0x1082  }
0x22: {  	[simem:s7], [sflag:s8] =	dma.local @!p0 [hbm:s6], $0xF7A  }
0x23: {  	s9 =	sor.u32 $0xD0000000, s2;
	s6 =	simm.s32 $0x108;
	_ =	swait.ge @!p0 [sflag:s8], $0x0  }
0x24: {  	s3 =	sadd.s32 $0x88, s3;
	s6 =	simm.s32 @!p1 $0x1082;
	[sflag:s4] =	ssyncset.s32 $0xFFFFF086  }
0x25: {  	[simem:s6], [sflag:s4] =	dma.local [hbm:s3], $0xF7A  }
0x26: {  	[smem:$0x3F99] =	sst s1;
	(tag) =	ssettag s2;
	_ =	strace s9  }
0x27: {  	s1 =	sld [smem:$0x3FA9]  }
0x28: {  	s2 =	sld [smem:$0x3FAA]  }
0x29: {  	s4 =	sld [smem:$0x3FAC]  }
0x2a: {  	p0 =	seq.s32 s5, $0x0;
	s5 =	sld [smem:$0x3FAD]  }
0x2b: {  	s6 =	sld [smem:$0x3FAE]  }
0x2c: {  	s7 =	sld [smem:$0x3FAF]  }
0x2d: {  	s3 =	simm.s32 $0x108;
	s8 =	sld [smem:$0x3FB0]  }
0x2e: {  	s3 =	simm.s32 @!p0 $0x1082;
	s9 =	sld [smem:$0x3FB1]  }
0x2f: {  	lr =	sadd.s32 s0, s3;
	s0 =	sld [smem:$0x3FA8]  }
0x30: {  	s3 =	sld [smem:$0x3FAB]  }
0x31: {  	[smem:$0x3FB4] =	sst s10  }
0x32: {  	s10 =	sld [smem:$0x3FB2];
	_ =	sdelay $0x3  }
0x33: {  	p0 =	seq.s32 s10, $0x1;
	s10 =	sld [smem:$0x3FB4];
	_ =	sdelay $0x3  }
0x34: {  	[smem:$0x3FB4] =	sst s10  }
0x35: {  	s10 =	sld [smem:$0x3FB3];
	_ =	sdelay $0x3  }
0x36: {  	p1 =	seq.s32 s10, $0x1;
	s10 =	sld [smem:$0x3FB4];
	_ =	sdelay $0x3  }
0x37: {  	[smem:$0x3FB4] =	sst s10  }
0x38: {  	s10 =	sld [smem:$0x3FB5]  }
0x39: {  	_ = 	snop;
	(pc) =	sbr.ind lr, $3  }
0x3a: {  	_ = 	snop  }
0x3b: {  	_ = 	snop  }
0x3c: {  	p2 =	seq.s32 s10, $0x1;
	s10 =	sld [smem:$0x3FB4]  }
0x3d: {  	_ =	shalt  }
0x3e: {  	_ =	shalt  }
0x3f: {  	_ =	shalt  }
0x40: {  	_ =	shalt  }
0x41: {  	_ =	shalt  }
0x42: {  	_ =	shalt  }
0x43: {  	_ =	shalt  }
0x44: {  	_ =	shalt  }
0x45: {  	_ =	shalt  }
0x46: {  	_ =	shalt  }
0x47: {  	_ =	shalt  }
0x48: {  	_ =	shalt  }
0x49: {  	_ =	shalt  }
0x4a: {  	_ =	shalt  }
0x4b: {  	_ =	shalt  }
0x4c: {  	_ =	shalt  }
0x4d: {  	_ =	shalt  }
0x4e: {  	_ =	shalt  }
0x4f: {  	_ =	shalt  }
0x50: {  	_ =	shalt  }
0x51: {  	_ =	shalt  }
0x52: {  	_ =	shalt  }
0x53: {  	_ =	shalt  }
0x54: {  	_ =	shalt  }
0x55: {  	_ =	shalt  }
0x56: {  	_ =	shalt  }
0x57: {  	_ =	shalt  }
0x58: {  	_ =	shalt  }
0x59: {  	_ =	shalt  }
0x5a: {  	_ =	shalt  }
0x5b: {  	_ =	shalt  }
0x5c: {  	_ =	shalt  }
0x5d: {  	_ =	shalt  }
0x5e: {  	_ =	shalt  }
0x5f: {  	_ =	shalt  }
0x60: {  	_ =	shalt  }
0x61: {  	_ =	shalt  }
0x62: {  	_ =	shalt  }
0x63: {  	_ =	shalt  }
0x64: {  	_ =	shalt  }
0x65: {  	_ =	shalt  }
0x66: {  	_ =	shalt  }
0x67: {  	_ =	shalt  }
0x68: {  	_ =	shalt  }
0x69: {  	_ =	shalt  }
0x6a: {  	_ =	shalt  }
0x6b: {  	_ =	shalt  }
0x6c: {  	_ =	shalt  }
0x6d: {  	_ =	shalt  }
0x6e: {  	_ =	shalt  }
0x6f: {  	_ =	shalt  }
0x70: {  	_ =	shalt  }
0x71: {  	_ =	shalt  }
0x72: {  	_ =	shalt  }
0x73: {  	_ =	shalt  }
0x74: {  	_ =	shalt  }
0x75: {  	_ =	shalt  }
0x76: {  	_ =	shalt  }
0x77: {  	_ =	shalt  }
0x78: {  	_ =	shalt  }
0x79: {  	_ =	shalt  }
0x7a: {  	_ =	shalt  }
0x7b: {  	_ =	shalt  }
0x7c: {  	_ =	shalt  }
0x7d: {  	_ =	shalt  }
0x7e: {  	_ =	shalt  }
0x7f: {  	_ =	shalt  }
0x80: {  	_ =	shalt  }
0x81: {  	_ =	shalt  }
0x82: {  	_ =	shalt  }
0x83: {  	_ =	shalt  }
0x84: {  	_ =	shalt  }
0x85: {  	_ =	shalt  }
0x86: {  	_ =	shalt  }
0x87: {  	_ =	shalt  }
.Lfunc_end0:
.L_simem_size_0:
called_computation.1_lowered:
.L_overlay_start_0:
0x88: {  	s2 =	sld [smem:$0x3FD9]  }
0x89: {  	s3 =	sld [smem:$0x3FFE];
	_ =	sdelay $0x1  }
0x8a: {  	s1 =	srdreg.scid  }
0x8b: {  	s0 =	sand.u32 $0x1, s1  }
0x8c: {  	s17 =	sshll.u32 s0, $0xA;
	s2 =	sadd.s32 s3, s2  }
0x8d: {  	s2 =	sadd.s32 s2, s17  }
0x8e: {  	[smem:$0x3FC0] =	sst s2  }
0x8f: {  	_ = 	snop  }
0x90: {  	s2 =	sld [smem:$0x3FD0];
	(tm) =	ssettm $0x1  }
0x91: {  	s18 =	sld [smem:$0x3FFB];
	_ =	sdelay $0x3  }
0x92: {  	_ =	strace s18  }
0x93: {  	s3 =	sld [smem:$0x3FFC];
	_ =	sdelay $0x3  }
0x94: {  	_ =	strace s3  }
0x95: {  	s3 =	sld [smem:$0x3FFD];
	_ =	sdelay $0x3  }
0x96: {  	_ =	strace s3  }
0x97: {  	_ =	strace $0x8FFFFFFF  }
0x98: {  	s19 =	sld [smem:$0x3FDB];
	_ =	sdelay $0x1  }
0x99: {  	s4 =	simm.s32 $_scs_section_size  }
0x9a: {  	s5 =	simm.s32 $_size__tile_overlayer_lowered;
	s6 =	simm.s32 $_tile_overlayer_lowered  }
0x9b: {  	s22 =	simm.s32 $0x1BFF;
	s21 =	sshll.u32 s6, $0x1;
	s3 =	sadd.s32 s4, s19  }
0x9c: {  	s7 =	simm.s32 $0x0;
	s20 =	sshll.u32 s5, $0x1;
	s5 =	sadd.s32 s21, s3  }
0x9d: {  	[timem:s7], [sflag:s22] =	dma.local [hbm:s5], s20  }
0x9e: {  	_ =	swait.ge [sflag:s22], s20  }
0x9f: {  	s4 =	ssub.s32 $0x0, s20;
	[sflag:s22] =	ssyncset.done $0x0  }
0xa0: {  	[sflag:s22] =	ssyncadd.s32 s4;
	_ =	sdelay $0x1  }
0xa1: {  	s23 =	simm.s32 $0x1B8B  }
0xa2: {  	_ =	swait.ge [sflag:s23], $0x1  }
0xa3: {  	[sflag:s23] =	ssyncset.done $0x0  }
0xa4: {  	s25 =	simm.s32 $0x1B8E;
	s24 =	sld [smem:$0x3FFE];
	[sflag:s23] =	ssyncadd.s32 $0xFFFFFFFF  }
0xa5: {  	s26 =	simm.s32 $execute0_lowered;
	[smem:$0x3FD2] =	sst s25  }
0xa6: {  	s5 =	sshll.u32 s26, $0x1;
	_ =	strace $0x80000046;
	[dreg:$0x1] =	wrdreg $0xFFFFFFFF  }
0xa7: {  	s28 =	simm.s32 $_size_execute0_lowered;
	s3 =	sadd.s32 s3, s5;
	[dreg:$0x0] =	wrdreg $0x0  }
0xa8: {  	s5 =	sshll.u32 s28, $0x1;
	[dreg:$0x2] =	wrdreg s3  }
0xa9: {  	[dreg:$0x3] =	wrdreg s5  }
0xaa: {  	[dreg:$0x4] =	wrdreg $0xC0  }
0xab: {  	_ =	task [dreg:s7], $0x5FFFF  }
0xac: {  	[dreg:$0x1] =	wrdreg $0xFFFFFFFF  }
0xad: {  	[dreg:$0x0] =	wrdreg $0x60  }
0xae: {  	[dreg:$0x2] =	wrdreg s24  }
0xaf: {  	[dreg:$0x3] =	wrdreg s2  }
0xb0: {  	[dreg:$0x4] =	wrdreg $0xA8000  }
0xb1: {  	[dreg:$0x5] =	wrdreg $0xA  }
0xb2: {  	_ =	task.clear_ibuf [dreg:s7], $0x6FFFF;
	_ =	strace $0x90000046  }
0xb3: {  	s29 =	simm.s32 $0xA;
	_ =	strace $0x80000048  }
0xb4: {  	_ =	swait.ge [sflag:s29], $0x1  }
0xb5: {  	[sflag:s29] =	ssyncadd.s32 $0xFFFFFFFF  }
0xb6: {  	_ =	strace $0x90000048  }
0xb7: {  	_ =	sfence  }
0xb8: {  	s30 =	sld [smem:$0x0];
	_ =	sdelay $0x2  }
0xb9: {  	s31 =	sshll.u32 s1, $0xD;
	s1 =	sshrl.u32 s1, $0x2  }
0xba: {  	s3 =	sand.u32 $0x4000, s31;
	s1 =	sadd.s32 s1, s30  }
0xbb: {  	s0 =	sor.u32 s3, s0;
	s1 =	sshll.u32 s1, $0x11  }
0xbc: {  	s0 =	sor.u32 s1, s0  }
0xbd: {  	s0 =	sadd.s32 $0x8F2B, s0  }
0xbe: {  	[sflag:s0] =	ssyncadd.remote.s32 $0x1  }
0xbf: {  	_ =	sfence.sel $0xFFFF  }
0xc0: {  	[dreg:$0x0] =	wrdreg $0xFFFFFFFF;
	(pc) =	sbr.abs _section_cstart, $3  }
0xc1: {  	[dreg:$0x1] =	wrdreg $0xFFFFFFFF  }
0xc2: {  	_ =	task.clear_ibuf [dreg:s7], $0x2FFFF;
	_ =	strace $0x9FFFFFFF  }
0xc3: {  	(tm) =	ssettm $0x7FFFFFFF  }
tec
execute0_lowered:
.L_overlay_start_1:
0x0: {  	(tag) =	ssettag $0x1  }
0x1: {  	s6 =	rddreg [dreg:$0x0]  }
0x2: {  	s11 =	rddreg [dreg:$0x1]  }
0x3: {  	s1 =	rddreg [dreg:$0x2];
	s2 =	srdreg.scid  }
0x4: {  	s0 =	rddreg [dreg:$0x3];
	s3 =	simm.s32 $0x0;
	s15 =	simm.s32 $0x1400  }
0x5: {  	s16 =	simm.s32 $0x80;
	s17 =	simm.s32 $0x2800;
	s18 =	simm.s32 $0x1  }
0x6: {  	s19 =	simm.s32 $0x6800;
	s20 =	simm.s32 $0x2;
	s21 =	simm.s32 $0x1380  }
0x7: {  	s22 =	simm.s32 $0x2700;
	s23 =	simm.s32 $0x2780;
	s24 =	simm.s32 $0x0  }
0x8: {  	s7 =	sand.u32 $0x1, s2;
	s2 =	stileid.u32;
	[smem:$0x7FF] =	sst s3  }
0x9: {  	s4 =	sadd.s32 $0x2600, s6;
	s12 =	sadd.s32 $0x29E00, s6;
	s8 =	smul.u32 $0x13C000, s7  }
0xa: {  	s5 =	sadd.s32 $0x33E00, s6;
	s9 =	smul.u32 $0x13C00, s2;
	_ =	strace $0x80000047  }
0xb: {  	s26 =	sshll.u32 s2, $0x1;
	s10 =	smul.u32 $0x4F000, s2;
	s28 =	ssub.s32 $0x2, s7  }
0xc: {  	s30 =	sshll.u32 s2, $0x6;
	s7 =	sor.u32 s7, s26;
	s29 =	sshrl.u32 s28, $0x1  }
0xd: {  	s8 =	sadd.s32 s9, s8;
	s10 =	sshrl.u32 s10, $0x2;
	s13 =	smul.u32 $0x2800, s7  }
0xe: {  	s9 =	ssub.s32 s28, s29;
	s8 =	sshrl.u32 s8, $0x3;
	s14 =	sadd.s32 s10, s1  }
0xf: {  	s8 =	sadd.s32 s8, s6;
	s6 =	sor.u32 $0x1C03, s30;
	s31 =	sshrl.u32 s13, $0x3  }
0x10: {  	s7 =	sadd.s32 $0x36600, s8;
	s8 =	smax.u32 s9, $0x1;
	s13 =	sadd.s32 $0x280, s31  }
0x11: {  	s9 =	sadd.s32 s11, s31;
	s10 =	sadd.s32 s12, s31;
	s11 =	sadd.s32 s11, s13  }
0x12: {  	s12 =	sadd.s32 s12, s13;
	s13 =	sshrl.u32 s14, $0x3;
	s14 =	simm.s32 $0x3  }
.LBB2_1:
0x13: {  	[spmem:s13], [sflag:s6] =	dma.local [hbm:s5], $0x2780  }
0x14: {  	_ =	swait.ge [sflag:s14], $0x2780  }
0x15: {  	[sflag:s14] =	ssyncset.done $0x0  }
0x16: {  	[sflag:s14] =	ssyncadd.s32 $0xFFFFD880  }
0x17: {  	[bflag:$0x0] =	sbarrier.arrive $0xFFFF  }
0x18: {  	[tilespmem:s3], [sflag:$0x3] =	stream.linear.gather [hbm4b:s9+s3], $0x1400, $0x38;
	[tilespmem:$0x1E400] =	vst v63  }
0x19: {  	_ =	swait.ge [sflag:s14], $0x1400  }
0x1a: {  	[sflag:s14] =	ssyncset.done $0x0  }
0x1b: {  	[sflag:s14] =	ssyncadd.s32 $0xFFFFEC00  }
0x1c: {  	[tilespmem:s15], [sflag:$0x3] =	stream.linear.gather [hbm4b:s10+s3], $0x1400, $0x38;
	[tilespmem:$0x1E400] =	vst v63  }
0x1d: {  	_ =	swait.ge [sflag:s14], $0x1400  }
0x1e: {  	[sflag:s14] =	ssyncset.done $0x0  }
0x1f: {  	[sflag:s14] =	ssyncadd.s32 $0xFFFFEC00  }
0x20: {  	[tilespmem:s17], [sflag:$0x1] =	stream.indirect.gather [hbm4b:s4+s16], $0x80, s3, s16, $0xb8;
	[tilespmem:$0x1E400] =	vst v63  }
0x21: {  	_ =	swait.ge [sflag:s18], $0x4000  }
0x22: {  	[sflag:s18] =	ssyncset.done $0x0  }
0x23: {  	s25 =	simm.s32 $0x80;
	[sflag:s18] =	ssyncadd.s32 $0xFFFFC000  }
0x24: {  	[tilespmem:s19], [sflag:$0x2] =	stream.indirect.gather [hbm4b:s4+s16], $0x80, s25, s16, $0xb8;
	[tilespmem:$0x1E400] =	vst v63  }
0x25: {  	s29 =	simm.s32 $0x1400  }
0x26: {  	[spmem:s1] =	stream.indirect.scatter.add.f32 [tilespmem:s17], [sflag:$0x3], $0x80, s29, s16, $0xb8;
	[tilespmem:$0x1E400] =	vst v63  }
0x27: {  	_ =	swait.ge [sflag:s14], $0x4000  }
0x28: {  	[sflag:s14] =	ssyncset.done $0x0  }
0x29: {  	[sflag:s14] =	ssyncadd.s32 $0xFFFFC000  }
0x2a: {  	_ =	swait.ge [sflag:s20], $0x4000  }
0x2b: {  	[sflag:s20] =	ssyncset.done $0x0  }
0x2c: {  	s30 =	simm.s32 $0x100;
	[sflag:s20] =	ssyncadd.s32 $0xFFFFC000  }
0x2d: {  	[tilespmem:s17], [sflag:$0x1] =	stream.indirect.gather [hbm4b:s4+s16], $0x80, s30, s16, $0xb8;
	[tilespmem:$0x1E400] =	vst v63  }
0x2e: {  	s31 =	simm.s32 $0x1480  }
0x2f: {  	[spmem:s1] =	stream.indirect.scatter.add.f32 [tilespmem:s19], [sflag:$0x3], $0x80, s31, s16, $0xb8;
	[tilespmem:$0x1E400] =	vst v63  }
0x30: {  	_ =	swait.ge [sflag:s14], $0x4000  }
0x31: {  	s25 =	simm.s32 $0x400;
	[sflag:s14] =	ssyncset.done $0x0  }
.LBB2_2:
0x32: {  	p0 =	sne.s32 s25, $0x4800  }
0x33: {  	[sflag:s14] =	ssyncadd.s32 $0xFFFFC000;
	s26 =	smov.u32 s25;
	s25 =	sadd.s32 $0x400, s25  }
0x34: {  	_ = 	snop  }
0x35: {  	_ =	swait.ge [sflag:s18], $0x4000  }
0x36: {  	s26 =	sshra.s32 s26, $0x2;
	[sflag:s18] =	ssyncset.done $0x0  }
0x37: {  	s28 =	sadd.s32 $0x80, s26;
	[sflag:s18] =	ssyncadd.s32 $0xFFFFC000  }
0x38: {  	[tilespmem:s19], [sflag:$0x2] =	stream.indirect.gather [hbm4b:s4+s16], $0x80, s28, s16, $0xb8;
	[tilespmem:$0x1E400] =	vst v63  }
0x39: {  	s28 =	sadd.s32 $0x1400, s26  }
0x3a: {  	[spmem:s1] =	stream.indirect.scatter.add.f32 [tilespmem:s17], [sflag:$0x3], $0x80, s28, s16, $0xb8;
	[tilespmem:$0x1E400] =	vst v63  }
0x3b: {  	_ =	swait.ge [sflag:s14], $0x4000  }
0x3c: {  	[sflag:s14] =	ssyncset.done $0x0  }
0x3d: {  	[sflag:s14] =	ssyncadd.s32 $0xFFFFC000  }
0x3e: {  	_ =	swait.ge [sflag:s20], $0x4000  }
0x3f: {  	[sflag:s20] =	ssyncset.done $0x0  }
0x40: {  	s28 =	sadd.s32 $0x100, s26;
	[sflag:s20] =	ssyncadd.s32 $0xFFFFC000  }
0x41: {  	[tilespmem:s17], [sflag:$0x1] =	stream.indirect.gather [hbm4b:s4+s16], $0x80, s28, s16, $0xb8;
	[tilespmem:$0x1E400] =	vst v63  }
.Ltmp0:
0x42: {  	_ = 	snop;
	(pc) =	sbr.rel @p0 .LBB2_2-.Ltmp0, $4  }
0x43: {  	s26 =	sadd.s32 $0x1480, s26  }
0x44: {  	[spmem:s1] =	stream.indirect.scatter.add.f32 [tilespmem:s19], [sflag:$0x3], $0x80, s26, s16, $0xb8;
	[tilespmem:$0x1E400] =	vst v63  }
0x45: {  	_ =	swait.ge [sflag:s14], $0x4000  }
0x46: {  	[sflag:s14] =	ssyncset.done $0x0  }
0x47: {  	[sflag:s14] =	ssyncadd.s32 $0xFFFFC000  }
0x48: {  	_ =	swait.ge [sflag:s18], $0x4000  }
0x49: {  	[sflag:s18] =	ssyncset.done $0x0  }
0x4a: {  	[sflag:s18] =	ssyncadd.s32 $0xFFFFC000  }
0x4b: {  	[tilespmem:s19], [sflag:$0x2] =	stream.indirect.gather [hbm4b:s4+s16], $0x80, s21, s16, $0xb8;
	[tilespmem:$0x1E400] =	vst v63  }
0x4c: {  	_ = 	snop  }
0x4d: {  	[spmem:s1] =	stream.indirect.scatter.add.f32 [tilespmem:s17], [sflag:$0x3], $0x80, s22, s16, $0xb8;
	[tilespmem:$0x1E400] =	vst v63  }
0x4e: {  	_ =	swait.ge [sflag:s14], $0x4000  }
0x4f: {  	[sflag:s14] =	ssyncset.done $0x0  }
0x50: {  	[sflag:s14] =	ssyncadd.s32 $0xFFFFC000  }
0x51: {  	_ =	swait.ge [sflag:s20], $0x4000  }
0x52: {  	[sflag:s20] =	ssyncset.done $0x0  }
0x53: {  	[sflag:s20] =	ssyncadd.s32 $0xFFFFC000  }
0x54: {  	[spmem:s1] =	stream.indirect.scatter.add.f32 [tilespmem:s19], [sflag:$0x3], $0x80, s23, s16, $0xb8;
	[tilespmem:$0x1E400] =	vst v63  }
0x55: {  	_ =	swait.ge [sflag:s14], $0x4000  }
0x56: {  	[sflag:s14] =	ssyncset.done $0x0  }
0x57: {  	s25 =	simm.s32 $0x0;
	[sflag:s14] =	ssyncadd.s32 $0xFFFFC000  }
0x58: {  	[tilespmem:s25], [sflag:$0x3] =	stream.linear.gather [hbm4b:s11+s25], $0x1400, $0x38;
	[tilespmem:$0x1E400] =	vst v63  }
0x59: {  	_ =	swait.ge [sflag:s14], $0x1400  }
0x5a: {  	[sflag:s14] =	ssyncset.done $0x0  }
0x5b: {  	[sflag:s14] =	ssyncadd.s32 $0xFFFFEC00  }
0x5c: {  	[tilespmem:s15], [sflag:$0x3] =	stream.linear.gather [hbm4b:s12+s25], $0x1400, $0x38;
	[tilespmem:$0x1E400] =	vst v63  }
0x5d: {  	_ =	swait.ge [sflag:s14], $0x1400  }
0x5e: {  	[sflag:s14] =	ssyncset.done $0x0  }
0x5f: {  	[sflag:s14] =	ssyncadd.s32 $0xFFFFEC00  }
0x60: {  	[tilespmem:s17], [sflag:$0x1] =	stream.indirect.gather [hbm4b:s4+s16], $0x80, s25, s16, $0xb8;
	[tilespmem:$0x1E400] =	vst v63  }
0x61: {  	_ =	swait.ge [sflag:s18], $0x4000  }
0x62: {  	[sflag:s18] =	ssyncset.done $0x0  }
0x63: {  	s28 =	simm.s32 $0x80;
	[sflag:s18] =	ssyncadd.s32 $0xFFFFC000  }
0x64: {  	[tilespmem:s19], [sflag:$0x2] =	stream.indirect.gather [hbm4b:s4+s16], $0x80, s28, s16, $0xb8;
	[tilespmem:$0x1E400] =	vst v63  }
0x65: {  	s29 =	simm.s32 $0x1400  }
0x66: {  	[spmem:s1] =	stream.indirect.scatter.add.f32 [tilespmem:s17], [sflag:$0x3], $0x80, s29, s16, $0xb8;
	[tilespmem:$0x1E400] =	vst v63  }
0x67: {  	_ =	swait.ge [sflag:s14], $0x4000  }
0x68: {  	[sflag:s14] =	ssyncset.done $0x0  }
0x69: {  	[sflag:s14] =	ssyncadd.s32 $0xFFFFC000  }
0x6a: {  	_ =	swait.ge [sflag:s20], $0x4000  }
0x6b: {  	[sflag:s20] =	ssyncset.done $0x0  }
0x6c: {  	s30 =	simm.s32 $0x100;
	[sflag:s20] =	ssyncadd.s32 $0xFFFFC000  }
0x6d: {  	[tilespmem:s17], [sflag:$0x1] =	stream.indirect.gather [hbm4b:s4+s16], $0x80, s30, s16, $0xb8;
	[tilespmem:$0x1E400] =	vst v63  }
0x6e: {  	s31 =	simm.s32 $0x1480  }
0x6f: {  	[spmem:s1] =	stream.indirect.scatter.add.f32 [tilespmem:s19], [sflag:$0x3], $0x80, s31, s16, $0xb8;
	[tilespmem:$0x1E400] =	vst v63  }
0x70: {  	_ =	swait.ge [sflag:s14], $0x4000  }
0x71: {  	s25 =	simm.s32 $0x400;
	[sflag:s14] =	ssyncset.done $0x0  }
.LBB2_4:
0x72: {  	p0 =	sne.s32 s25, $0x4800  }
0x73: {  	[sflag:s14] =	ssyncadd.s32 $0xFFFFC000;
	s26 =	smov.u32 s25;
	s25 =	sadd.s32 $0x400, s25  }
0x74: {  	_ = 	snop  }
0x75: {  	_ =	swait.ge [sflag:s18], $0x4000  }
0x76: {  	s26 =	sshra.s32 s26, $0x2;
	[sflag:s18] =	ssyncset.done $0x0  }
0x77: {  	s28 =	sadd.s32 $0x80, s26;
	[sflag:s18] =	ssyncadd.s32 $0xFFFFC000  }
0x78: {  	[tilespmem:s19], [sflag:$0x2] =	stream.indirect.gather [hbm4b:s4+s16], $0x80, s28, s16, $0xb8;
	[tilespmem:$0x1E400] =	vst v63  }
0x79: {  	s28 =	sadd.s32 $0x1400, s26  }
0x7a: {  	[spmem:s1] =	stream.indirect.scatter.add.f32 [tilespmem:s17], [sflag:$0x3], $0x80, s28, s16, $0xb8;
	[tilespmem:$0x1E400] =	vst v63  }
0x7b: {  	_ =	swait.ge [sflag:s14], $0x4000  }
0x7c: {  	[sflag:s14] =	ssyncset.done $0x0  }
0x7d: {  	[sflag:s14] =	ssyncadd.s32 $0xFFFFC000  }
0x7e: {  	_ =	swait.ge [sflag:s20], $0x4000  }
0x7f: {  	[sflag:s20] =	ssyncset.done $0x0  }
0x80: {  	s28 =	sadd.s32 $0x100, s26;
	[sflag:s20] =	ssyncadd.s32 $0xFFFFC000  }
0x81: {  	[tilespmem:s17], [sflag:$0x1] =	stream.indirect.gather [hbm4b:s4+s16], $0x80, s28, s16, $0xb8;
	[tilespmem:$0x1E400] =	vst v63  }
.Ltmp1:
0x82: {  	_ = 	snop;
	(pc) =	sbr.rel @p0 .LBB2_4-.Ltmp1, $4  }
0x83: {  	s26 =	sadd.s32 $0x1480, s26  }
0x84: {  	[spmem:s1] =	stream.indirect.scatter.add.f32 [tilespmem:s19], [sflag:$0x3], $0x80, s26, s16, $0xb8;
	[tilespmem:$0x1E400] =	vst v63  }
0x85: {  	_ =	swait.ge [sflag:s14], $0x4000  }
0x86: {  	[sflag:s14] =	ssyncset.done $0x0  }
0x87: {  	[sflag:s14] =	ssyncadd.s32 $0xFFFFC000  }
0x88: {  	_ =	swait.ge [sflag:s18], $0x4000  }
0x89: {  	[sflag:s18] =	ssyncset.done $0x0  }
0x8a: {  	[sflag:s18] =	ssyncadd.s32 $0xFFFFC000  }
0x8b: {  	[tilespmem:s19], [sflag:$0x2] =	stream.indirect.gather [hbm4b:s4+s16], $0x80, s21, s16, $0xb8;
	[tilespmem:$0x1E400] =	vst v63  }
0x8c: {  	_ = 	snop  }
0x8d: {  	[spmem:s1] =	stream.indirect.scatter.add.f32 [tilespmem:s17], [sflag:$0x3], $0x80, s22, s16, $0xb8;
	[tilespmem:$0x1E400] =	vst v63  }
0x8e: {  	_ =	swait.ge [sflag:s14], $0x4000  }
0x8f: {  	[sflag:s14] =	ssyncset.done $0x0  }
0x90: {  	[sflag:s14] =	ssyncadd.s32 $0xFFFFC000  }
0x91: {  	_ =	swait.ge [sflag:s20], $0x4000  }
0x92: {  	[sflag:s20] =	ssyncset.done $0x0  }
0x93: {  	[sflag:s20] =	ssyncadd.s32 $0xFFFFC000  }
0x94: {  	[spmem:s1] =	stream.indirect.scatter.add.f32 [tilespmem:s19], [sflag:$0x3], $0x80, s23, s16, $0xb8;
	[tilespmem:$0x1E400] =	vst v63  }
0x95: {  	_ =	swait.ge [sflag:s14], $0x4000  }
0x96: {  	s24 =	sadd.s32 $0x1, s24;
	[sflag:s14] =	ssyncset.done $0x0  }
0x97: {  	p0 =	sne.s32 s24, s8;
	[sflag:s14] =	ssyncadd.s32 $0xFFFFC000  }
.Ltmp2:
0x98: {  	[bflag:$0x0] =	sbarrier.arrive $0xFFFF;
	(pc) =	sbr.rel @p0 .LBB2_1-.Ltmp2, $4  }
0x99: {  	[hbm:s7], [sflag:s6] =	dma.local [spmem:s13], $0x2780  }
0x9a: {  	_ =	swait.ge [sflag:s14], $0x2780  }
0x9b: {  	[sflag:s14] =	ssyncset.done $0x0  }
0x9c: {  	[sflag:s14] =	ssyncadd.s32 $0xFFFFD880  }
0x9d: {  	_ =	sfence.sel $0x180000  }
0x9e: {  	[bflag:$0x0] =	sbarrier.arrive $0xFFFF  }
0x9f: {  	p0 =	sne.s32 s2, $0x0;
	_ =	strace $0x90000047  }
0xa0: {  	s0 =	sadd.s32 @!p0 $0x100000, s0;
	[bflag:$0x2] =	sbarrier.arrive $0xFFFF  }
0xa1: {  	[sflag:s0] =	ssyncadd.tile.s32 @!p0 $0x1;
	_ =	shalt  }
.Lfunc_end2:
_tile_overlayer_lowered:
.L_overlay_start_2:
0xa2: {  	(tag) =	ssettag $0x2  }
0xa3: {  	s0 =	rddreg [dreg:$0x0];
	s2 =	stileid.u32  }
0xa4: {  	s1 =	rddreg [dreg:$0x1];
	p0 =	sne.s32 s2, $0x0  }
0xa5: {  	s3 =	rddreg [dreg:$0x2];
	[bflag:$0x3] =	sbarrier.arrive $0xFFFF;
	s2 =	simm.s32 @!p0 $0x1C03  }
0xa6: {  	[timem:s3], [sflag:s2] =	dma.local @!p0 [hbm:s0], s1  }
0xa7: {  	s0 =	simm.s32 @!p0 $0x3  }
0xa8: {  	_ =	swait.ge @!p0 [sflag:s0], s1  }
0xa9: {  	s1 =	ssub.s32 @!p0 $0x0, s1;
	[sflag:s0] =	ssyncset.done @!p0 $0x0  }
0xaa: {  	[sflag:s0] =	ssyncadd.s32 @!p0 s1  }
0xab: {  	[bflag:$0x3] =	sbarrier.arrive $0xFFFF  }
0xac: {  	_ =	shalt  }

// kernel: kernel.14.cloned.1.call-start
scs
__scs_entry_jumppad:
0x0: {  	(pc) =	sbr.rel $0x88, $3  }
0x1: {  	(tag) =	ssettag $0x0;
	lr =	simm.s32 $0x1  }
0x2: {  	[smem:$0x3F99] =	sst lr;
	_ =	strace $0xD0000000  }
0x3: {  	_ = 	snop  }
0x4: {  	_ = 	snop  }
0x5: {  	_ = 	snop  }
0x6: {  	_ = 	snop  }
0x7: {  	_ = 	snop  }
__scs_overlays_trampoline_lowered:
0x8: {  	[smem:$0x3FA8] =	sst s0  }
0x9: {  	[smem:$0x3FA9] =	sst s1  }
0xa: {  	[smem:$0x3FAA] =	sst s2  }
0xb: {  	[smem:$0x3FAB] =	sst s3  }
0xc: {  	[smem:$0x3FAC] =	sst s4  }
0xd: {  	[smem:$0x3FAD] =	sst s5  }
0xe: {  	[smem:$0x3FAE] =	sst s6  }
0xf: {  	[smem:$0x3FAF] =	sst s7  }
0x10: {  	[smem:$0x3FB0] =	sst s8  }
0x11: {  	[smem:$0x3FB1] =	sst s9;
	s0 =	simm.s32 @!p0 $0x0  }
0x12: {  	s1 =	sld [smem:$0x3F97];
	s0 =	simm.s32 @p0 $0x1  }
0x13: {  	[smem:$0x3FB2] =	sst s0;
	s0 =	simm.s32 @!p1 $0x0  }
0x14: {  	s2 =	sld [smem:$0x3F96];
	s0 =	simm.s32 @p1 $0x1  }
0x15: {  	[smem:$0x3FB3] =	sst s0;
	s0 =	simm.s32 @!p2 $0x0  }
0x16: {  	s3 =	sld [smem:$0x3FDB];
	s0 =	simm.s32 @p2 $0x1  }
0x17: {  	s4 =	simm.s32 $0x1BF5;
	[smem:$0x3FB5] =	sst s0  }
0x18: {  	s0 =	sld [smem:$0x3F98];
	_ =	swait.ge [sflag:s4], $0x0  }
0x19: {  	s7 =	sld [smem:$0x3F99]  }
0x1a: {  	s8 =	sadd.s32 $0xFFFFE003, lr  }
0x1b: {  	s9 =	sadd.s32 $0xFFFFFEF7, lr;
	s5 =	simm.s32 $0xFFFFFFFF;
	p2 =	slt.u32 s8, $0xFFFFF086  }
0x1c: {  	p1 =	slt.u32 s9, $0xF7A;
	s5 =	simm.s32 @!p2 $0x0  }
0x1d: {  	s5 =	simm.s32 @p1 $0x1;
	p0 =	seq.s32 s7, s2  }
0x1e: {  	s7 =	smul.u32 @!p0 $0xF7A, s2;
	p2 =	seq.s32 @!p0 s5, $0x0  }
0x1f: {  	s9 =	smul.u32 $0xF7A, s1;
	s8 =	simm.s32 @!p0 $0x1BF5;
	p2 =	por !p2, p0  }
0x20: {  	[sflag:s8] =	ssyncset.s32 @!p0 $0xFFFFF086;
	s6 =	sadd.s32 @!p0 s3, s7;
	s7 =	simm.s32 @!p0 $0x108  }
0x21: {  	s3 =	sadd.s32 s3, s9;
	s6 =	sadd.s32 @!p0 $0x88, s6;
	s7 =	simm.s32 @p2 $0x1082  }
0x22: {  	[simem:s7], [sflag:s8] =	dma.local @!p0 [hbm:s6], $0xF7A  }
0x23: {  	s9 =	sor.u32 $0xD0000000, s2;
	s6 =	simm.s32 $0x108;
	_ =	swait.ge @!p0 [sflag:s8], $0x0  }
0x24: {  	s3 =	sadd.s32 $0x88, s3;
	s6 =	simm.s32 @!p1 $0x1082;
	[sflag:s4] =	ssyncset.s32 $0xFFFFF086  }
0x25: {  	[simem:s6], [sflag:s4] =	dma.local [hbm:s3], $0xF7A  }
0x26: {  	[smem:$0x3F99] =	sst s1;
	(tag) =	ssettag s2;
	_ =	strace s9  }
0x27: {  	s1 =	sld [smem:$0x3FA9]  }
0x28: {  	s2 =	sld [smem:$0x3FAA]  }
0x29: {  	s4 =	sld [smem:$0x3FAC]  }
0x2a: {  	p0 =	seq.s32 s5, $0x0;
	s5 =	sld [smem:$0x3FAD]  }
0x2b: {  	s6 =	sld [smem:$0x3FAE]  }
0x2c: {  	s7 =	sld [smem:$0x3FAF]  }
0x2d: {  	s3 =	simm.s32 $0x108;
	s8 =	sld [smem:$0x3FB0]  }
0x2e: {  	s3 =	simm.s32 @!p0 $0x1082;
	s9 =	sld [smem:$0x3FB1]  }
0x2f: {  	lr =	sadd.s32 s0, s3;
	s0 =	sld [smem:$0x3FA8]  }
0x30: {  	s3 =	sld [smem:$0x3FAB]  }
0x31: {  	[smem:$0x3FB4] =	sst s10  }
0x32: {  	s10 =	sld [smem:$0x3FB2];
	_ =	sdelay $0x3  }
0x33: {  	p0 =	seq.s32 s10, $0x1;
	s10 =	sld [smem:$0x3FB4];
	_ =	sdelay $0x3  }
0x34: {  	[smem:$0x3FB4] =	sst s10  }
0x35: {  	s10 =	sld [smem:$0x3FB3];
	_ =	sdelay $0x3  }
0x36: {  	p1 =	seq.s32 s10, $0x1;
	s10 =	sld [smem:$0x3FB4];
	_ =	sdelay $0x3  }
0x37: {  	[smem:$0x3FB4] =	sst s10  }
0x38: {  	s10 =	sld [smem:$0x3FB5]  }
0x39: {  	_ = 	snop;
	(pc) =	sbr.ind lr, $3  }
0x3a: {  	_ = 	snop  }
0x3b: {  	_ = 	snop  }
0x3c: {  	p2 =	seq.s32 s10, $0x1;
	s10 =	sld [smem:$0x3FB4]  }
0x3d: {  	_ =	shalt  }
0x3e: {  	_ =	shalt  }
0x3f: {  	_ =	shalt  }
0x40: {  	_ =	shalt  }
0x41: {  	_ =	shalt  }
0x42: {  	_ =	shalt  }
0x43: {  	_ =	shalt  }
0x44: {  	_ =	shalt  }
0x45: {  	_ =	shalt  }
0x46: {  	_ =	shalt  }
0x47: {  	_ =	shalt  }
0x48: {  	_ =	shalt  }
0x49: {  	_ =	shalt  }
0x4a: {  	_ =	shalt  }
0x4b: {  	_ =	shalt  }
0x4c: {  	_ =	shalt  }
0x4d: {  	_ =	shalt  }
0x4e: {  	_ =	shalt  }
0x4f: {  	_ =	shalt  }
0x50: {  	_ =	shalt  }
0x51: {  	_ =	shalt  }
0x52: {  	_ =	shalt  }
0x53: {  	_ =	shalt  }
0x54: {  	_ =	shalt  }
0x55: {  	_ =	shalt  }
0x56: {  	_ =	shalt  }
0x57: {  	_ =	shalt  }
0x58: {  	_ =	shalt  }
0x59: {  	_ =	shalt  }
0x5a: {  	_ =	shalt  }
0x5b: {  	_ =	shalt  }
0x5c: {  	_ =	shalt  }
0x5d: {  	_ =	shalt  }
0x5e: {  	_ =	shalt  }
0x5f: {  	_ =	shalt  }
0x60: {  	_ =	shalt  }
0x61: {  	_ =	shalt  }
0x62: {  	_ =	shalt  }
0x63: {  	_ =	shalt  }
0x64: {  	_ =	shalt  }
0x65: {  	_ =	shalt  }
0x66: {  	_ =	shalt  }
0x67: {  	_ =	shalt  }
0x68: {  	_ =	shalt  }
0x69: {  	_ =	shalt  }
0x6a: {  	_ =	shalt  }
0x6b: {  	_ =	shalt  }
0x6c: {  	_ =	shalt  }
0x6d: {  	_ =	shalt  }
0x6e: {  	_ =	shalt  }
0x6f: {  	_ =	shalt  }
0x70: {  	_ =	shalt  }
0x71: {  	_ =	shalt  }
0x72: {  	_ =	shalt  }
0x73: {  	_ =	shalt  }
0x74: {  	_ =	shalt  }
0x75: {  	_ =	shalt  }
0x76: {  	_ =	shalt  }
0x77: {  	_ =	shalt  }
0x78: {  	_ =	shalt  }
0x79: {  	_ =	shalt  }
0x7a: {  	_ =	shalt  }
0x7b: {  	_ =	shalt  }
0x7c: {  	_ =	shalt  }
0x7d: {  	_ =	shalt  }
0x7e: {  	_ =	shalt  }
0x7f: {  	_ =	shalt  }
0x80: {  	_ =	shalt  }
0x81: {  	_ =	shalt  }
0x82: {  	_ =	shalt  }
0x83: {  	_ =	shalt  }
0x84: {  	_ =	shalt  }
0x85: {  	_ =	shalt  }
0x86: {  	_ =	shalt  }
0x87: {  	_ =	shalt  }
.Lfunc_end0:
.L_simem_size_0:
called_computation.2_lowered:
.L_overlay_start_0:
0x88: {  	s2 =	sld [smem:$0x3FD9]  }
0x89: {  	s3 =	sld [smem:$0x3FFE];
	_ =	sdelay $0x1  }
0x8a: {  	s1 =	srdreg.scid  }
0x8b: {  	s0 =	sand.u32 $0x1, s1  }
0x8c: {  	s17 =	sshll.u32 s0, $0xA;
	s2 =	sadd.s32 s3, s2  }
0x8d: {  	s2 =	sadd.s32 s2, s17  }
0x8e: {  	[smem:$0x3FC0] =	sst s2  }
0x8f: {  	_ = 	snop  }
0x90: {  	s2 =	sld [smem:$0x3FD0];
	(tm) =	ssettm $0x1  }
0x91: {  	s18 =	sld [smem:$0x3FFB];
	_ =	sdelay $0x3  }
0x92: {  	_ =	strace s18  }
0x93: {  	s3 =	sld [smem:$0x3FFC];
	_ =	sdelay $0x3  }
0x94: {  	_ =	strace s3  }
0x95: {  	s3 =	sld [smem:$0x3FFD];
	_ =	sdelay $0x3  }
0x96: {  	_ =	strace s3  }
0x97: {  	_ =	strace $0x8FFFFFFF  }
0x98: {  	s19 =	sld [smem:$0x3FDB];
	_ =	sdelay $0x1  }
0x99: {  	s4 =	simm.s32 $_scs_section_size  }
0x9a: {  	s5 =	simm.s32 $_size__tile_overlayer_lowered;
	s6 =	simm.s32 $_tile_overlayer_lowered  }
0x9b: {  	s22 =	simm.s32 $0x1BFF;
	s21 =	sshll.u32 s6, $0x1;
	s3 =	sadd.s32 s4, s19  }
0x9c: {  	s7 =	simm.s32 $0x0;
	s20 =	sshll.u32 s5, $0x1;
	s5 =	sadd.s32 s21, s3  }
0x9d: {  	[timem:s7], [sflag:s22] =	dma.local [hbm:s5], s20  }
0x9e: {  	_ =	swait.ge [sflag:s22], s20  }
0x9f: {  	s4 =	ssub.s32 $0x0, s20;
	[sflag:s22] =	ssyncset.done $0x0  }
0xa0: {  	[sflag:s22] =	ssyncadd.s32 s4;
	_ =	sdelay $0x1  }
0xa1: {  	s23 =	simm.s32 $0x1B8B  }
0xa2: {  	_ =	swait.ge [sflag:s23], $0x1  }
0xa3: {  	[sflag:s23] =	ssyncset.done $0x0  }
0xa4: {  	s25 =	simm.s32 $0x1B8E;
	s24 =	sld [smem:$0x3FFE];
	[sflag:s23] =	ssyncadd.s32 $0xFFFFFFFF  }
0xa5: {  	s26 =	simm.s32 $execute0_lowered;
	[smem:$0x3FD2] =	sst s25  }
0xa6: {  	s5 =	sshll.u32 s26, $0x1;
	_ =	strace $0x8000004C;
	[dreg:$0x1] =	wrdreg $0xFFFFFFFF  }
0xa7: {  	s28 =	simm.s32 $_size_execute0_lowered;
	s3 =	sadd.s32 s3, s5;
	[dreg:$0x0] =	wrdreg $0x0  }
0xa8: {  	s5 =	sshll.u32 s28, $0x1;
	[dreg:$0x2] =	wrdreg s3  }
0xa9: {  	[dreg:$0x3] =	wrdreg s5  }
0xaa: {  	[dreg:$0x4] =	wrdreg $0xC0  }
0xab: {  	_ =	task [dreg:s7], $0x5FFFF  }
0xac: {  	[dreg:$0x1] =	wrdreg $0xFFFFFFFF  }
0xad: {  	[dreg:$0x0] =	wrdreg $0x60  }
0xae: {  	[dreg:$0x2] =	wrdreg s24  }
0xaf: {  	[dreg:$0x3] =	wrdreg s2  }
0xb0: {  	[dreg:$0x4] =	wrdreg $0xA8000  }
0xb1: {  	[dreg:$0x5] =	wrdreg $0x9  }
0xb2: {  	_ =	task.clear_ibuf [dreg:s7], $0x6FFFF;
	_ =	strace $0x9000004C  }
0xb3: {  	s29 =	simm.s32 $0x9;
	_ =	strace $0x8000004E  }
0xb4: {  	_ =	swait.ge [sflag:s29], $0x1  }
0xb5: {  	[sflag:s29] =	ssyncadd.s32 $0xFFFFFFFF  }
0xb6: {  	_ =	strace $0x9000004E  }
0xb7: {  	_ =	sfence  }
0xb8: {  	s30 =	sld [smem:$0x0];
	_ =	sdelay $0x2  }
0xb9: {  	s31 =	sshll.u32 s1, $0xD;
	s1 =	sshrl.u32 s1, $0x2  }
0xba: {  	s3 =	sand.u32 $0x4000, s31;
	s1 =	sadd.s32 s1, s30  }
0xbb: {  	s0 =	sor.u32 s3, s0;
	s1 =	sshll.u32 s1, $0x11  }
0xbc: {  	s0 =	sor.u32 s1, s0  }
0xbd: {  	s0 =	sadd.s32 $0x8F2B, s0  }
0xbe: {  	[sflag:s0] =	ssyncadd.remote.s32 $0x1  }
0xbf: {  	_ =	sfence.sel $0xFFFF  }
0xc0: {  	[dreg:$0x0] =	wrdreg $0xFFFFFFFF;
	(pc) =	sbr.abs _section_cstart, $3  }
0xc1: {  	[dreg:$0x1] =	wrdreg $0xFFFFFFFF  }
0xc2: {  	_ =	task.clear_ibuf [dreg:s7], $0x2FFFF;
	_ =	strace $0x9FFFFFFF  }
0xc3: {  	(tm) =	ssettm $0x7FFFFFFF  }
tec
execute0_lowered:
.L_overlay_start_1:
0x0: {  	(tag) =	ssettag $0x1  }
0x1: {  	s6 =	rddreg [dreg:$0x0]  }
0x2: {  	s11 =	rddreg [dreg:$0x1]  }
0x3: {  	s1 =	rddreg [dreg:$0x2];
	s2 =	srdreg.scid  }
0x4: {  	s0 =	rddreg [dreg:$0x3];
	s3 =	simm.s32 $0x0;
	s15 =	simm.s32 $0x1400  }
0x5: {  	s16 =	simm.s32 $0x80;
	s17 =	simm.s32 $0x2800;
	s18 =	simm.s32 $0x1  }
0x6: {  	s19 =	simm.s32 $0x6800;
	s20 =	simm.s32 $0x2;
	s21 =	simm.s32 $0x1380  }
0x7: {  	s22 =	simm.s32 $0x2700;
	s23 =	simm.s32 $0x2780;
	s24 =	simm.s32 $0x0  }
0x8: {  	s7 =	sand.u32 $0x1, s2;
	s2 =	stileid.u32;
	[smem:$0x7FF] =	sst s3  }
0x9: {  	s4 =	sadd.s32 $0x36600, s6;
	s12 =	sadd.s32 $0x29E00, s6;
	s8 =	smul.u32 $0x13C000, s7  }
0xa: {  	s5 =	sadd.s32 $0x33E00, s6;
	s9 =	smul.u32 $0x13C00, s2;
	_ =	strace $0x8000004D  }
0xb: {  	s26 =	sshll.u32 s2, $0x1;
	s10 =	smul.u32 $0x4F000, s2;
	s28 =	ssub.s32 $0x2, s7  }
0xc: {  	s30 =	sshll.u32 s2, $0x6;
	s7 =	sor.u32 s7, s26;
	s29 =	sshrl.u32 s28, $0x1  }
0xd: {  	s8 =	sadd.s32 s9, s8;
	s10 =	sshrl.u32 s10, $0x2;
	s13 =	smul.u32 $0x2800, s7  }
0xe: {  	s9 =	ssub.s32 s28, s29;
	s8 =	sshrl.u32 s8, $0x3;
	s14 =	sadd.s32 s10, s1  }
0xf: {  	s8 =	sadd.s32 s8, s6;
	s6 =	sor.u32 $0x1C03, s30;
	s31 =	sshrl.u32 s13, $0x3  }
0x10: {  	s7 =	sadd.s32 $0xD4E00, s8;
	s8 =	smax.u32 s9, $0x1;
	s13 =	sadd.s32 $0x280, s31  }
0x11: {  	s9 =	sadd.s32 s11, s31;
	s10 =	sadd.s32 s12, s31;
	s11 =	sadd.s32 s11, s13  }
0x12: {  	s12 =	sadd.s32 s12, s13;
	s13 =	sshrl.u32 s14, $0x3;
	s14 =	simm.s32 $0x3  }
.LBB2_1:
0x13: {  	[spmem:s13], [sflag:s6] =	dma.local [hbm:s5], $0x2780  }
0x14: {  	_ =	swait.ge [sflag:s14], $0x2780  }
0x15: {  	[sflag:s14] =	ssyncset.done $0x0  }
0x16: {  	[sflag:s14] =	ssyncadd.s32 $0xFFFFD880  }
0x17: {  	[bflag:$0x0] =	sbarrier.arrive $0xFFFF  }
0x18: {  	[tilespmem:s3], [sflag:$0x3] =	stream.linear.gather [hbm4b:s9+s3], $0x1400, $0x38;
	[tilespmem:$0x1E400] =	vst v63  }
0x19: {  	_ =	swait.ge [sflag:s14], $0x1400  }
0x1a: {  	[sflag:s14] =	ssyncset.done $0x0  }
0x1b: {  	[sflag:s14] =	ssyncadd.s32 $0xFFFFEC00  }
0x1c: {  	[tilespmem:s15], [sflag:$0x3] =	stream.linear.gather [hbm4b:s10+s3], $0x1400, $0x38;
	[tilespmem:$0x1E400] =	vst v63  }
0x1d: {  	_ =	swait.ge [sflag:s14], $0x1400  }
0x1e: {  	[sflag:s14] =	ssyncset.done $0x0  }
0x1f: {  	[sflag:s14] =	ssyncadd.s32 $0xFFFFEC00  }
0x20: {  	[tilespmem:s17], [sflag:$0x1] =	stream.indirect.gather [hbm4b:s4+s16], $0x80, s3, s16, $0xb8;
	[tilespmem:$0x1E400] =	vst v63  }
0x21: {  	_ =	swait.ge [sflag:s18], $0x4000  }
0x22: {  	[sflag:s18] =	ssyncset.done $0x0  }
0x23: {  	s25 =	simm.s32 $0x80;
	[sflag:s18] =	ssyncadd.s32 $0xFFFFC000  }
0x24: {  	[tilespmem:s19], [sflag:$0x2] =	stream.indirect.gather [hbm4b:s4+s16], $0x80, s25, s16, $0xb8;
	[tilespmem:$0x1E400] =	vst v63  }
0x25: {  	s29 =	simm.s32 $0x1400  }
0x26: {  	[spmem:s1] =	stream.indirect.scatter.add.f32 [tilespmem:s17], [sflag:$0x3], $0x80, s29, s16, $0xb8;
	[tilespmem:$0x1E400] =	vst v63  }
0x27: {  	_ =	swait.ge [sflag:s14], $0x4000  }
0x28: {  	[sflag:s14] =	ssyncset.done $0x0  }
0x29: {  	[sflag:s14] =	ssyncadd.s32 $0xFFFFC000  }
0x2a: {  	_ =	swait.ge [sflag:s20], $0x4000  }
0x2b: {  	[sflag:s20] =	ssyncset.done $0x0  }
0x2c: {  	s30 =	simm.s32 $0x100;
	[sflag:s20] =	ssyncadd.s32 $0xFFFFC000  }
0x2d: {  	[tilespmem:s17], [sflag:$0x1] =	stream.indirect.gather [hbm4b:s4+s16], $0x80, s30, s16, $0xb8;
	[tilespmem:$0x1E400] =	vst v63  }
0x2e: {  	s31 =	simm.s32 $0x1480  }
0x2f: {  	[spmem:s1] =	stream.indirect.scatter.add.f32 [tilespmem:s19], [sflag:$0x3], $0x80, s31, s16, $0xb8;
	[tilespmem:$0x1E400] =	vst v63  }
0x30: {  	_ =	swait.ge [sflag:s14], $0x4000  }
0x31: {  	s25 =	simm.s32 $0x400;
	[sflag:s14] =	ssyncset.done $0x0  }
.LBB2_2:
0x32: {  	p0 =	sne.s32 s25, $0x4800  }
0x33: {  	[sflag:s14] =	ssyncadd.s32 $0xFFFFC000;
	s26 =	smov.u32 s25;
	s25 =	sadd.s32 $0x400, s25  }
0x34: {  	_ = 	snop  }
0x35: {  	_ =	swait.ge [sflag:s18], $0x4000  }
0x36: {  	s26 =	sshra.s32 s26, $0x2;
	[sflag:s18] =	ssyncset.done $0x0  }
0x37: {  	s28 =	sadd.s32 $0x80, s26;
	[sflag:s18] =	ssyncadd.s32 $0xFFFFC000  }
0x38: {  	[tilespmem:s19], [sflag:$0x2] =	stream.indirect.gather [hbm4b:s4+s16], $0x80, s28, s16, $0xb8;
	[tilespmem:$0x1E400] =	vst v63  }
0x39: {  	s28 =	sadd.s32 $0x1400, s26  }
0x3a: {  	[spmem:s1] =	stream.indirect.scatter.add.f32 [tilespmem:s17], [sflag:$0x3], $0x80, s28, s16, $0xb8;
	[tilespmem:$0x1E400] =	vst v63  }
0x3b: {  	_ =	swait.ge [sflag:s14], $0x4000  }
0x3c: {  	[sflag:s14] =	ssyncset.done $0x0  }
0x3d: {  	[sflag:s14] =	ssyncadd.s32 $0xFFFFC000  }
0x3e: {  	_ =	swait.ge [sflag:s20], $0x4000  }
0x3f: {  	[sflag:s20] =	ssyncset.done $0x0  }
0x40: {  	s28 =	sadd.s32 $0x100, s26;
	[sflag:s20] =	ssyncadd.s32 $0xFFFFC000  }
0x41: {  	[tilespmem:s17], [sflag:$0x1] =	stream.indirect.gather [hbm4b:s4+s16], $0x80, s28, s16, $0xb8;
	[tilespmem:$0x1E400] =	vst v63  }
.Ltmp0:
0x42: {  	_ = 	snop;
	(pc) =	sbr.rel @p0 .LBB2_2-.Ltmp0, $4  }
0x43: {  	s26 =	sadd.s32 $0x1480, s26  }
0x44: {  	[spmem:s1] =	stream.indirect.scatter.add.f32 [tilespmem:s19], [sflag:$0x3], $0x80, s26, s16, $0xb8;
	[tilespmem:$0x1E400] =	vst v63  }
0x45: {  	_ =	swait.ge [sflag:s14], $0x4000  }
0x46: {  	[sflag:s14] =	ssyncset.done $0x0  }
0x47: {  	[sflag:s14] =	ssyncadd.s32 $0xFFFFC000  }
0x48: {  	_ =	swait.ge [sflag:s18], $0x4000  }
0x49: {  	[sflag:s18] =	ssyncset.done $0x0  }
0x4a: {  	[sflag:s18] =	ssyncadd.s32 $0xFFFFC000  }
0x4b: {  	[tilespmem:s19], [sflag:$0x2] =	stream.indirect.gather [hbm4b:s4+s16], $0x80, s21, s16, $0xb8;
	[tilespmem:$0x1E400] =	vst v63  }
0x4c: {  	_ = 	snop  }
0x4d: {  	[spmem:s1] =	stream.indirect.scatter.add.f32 [tilespmem:s17], [sflag:$0x3], $0x80, s22, s16, $0xb8;
	[tilespmem:$0x1E400] =	vst v63  }
0x4e: {  	_ =	swait.ge [sflag:s14], $0x4000  }
0x4f: {  	[sflag:s14] =	ssyncset.done $0x0  }
0x50: {  	[sflag:s14] =	ssyncadd.s32 $0xFFFFC000  }
0x51: {  	_ =	swait.ge [sflag:s20], $0x4000  }
0x52: {  	[sflag:s20] =	ssyncset.done $0x0  }
0x53: {  	[sflag:s20] =	ssyncadd.s32 $0xFFFFC000  }
0x54: {  	[spmem:s1] =	stream.indirect.scatter.add.f32 [tilespmem:s19], [sflag:$0x3], $0x80, s23, s16, $0xb8;
	[tilespmem:$0x1E400] =	vst v63  }
0x55: {  	_ =	swait.ge [sflag:s14], $0x4000  }
0x56: {  	[sflag:s14] =	ssyncset.done $0x0  }
0x57: {  	s25 =	simm.s32 $0x0;
	[sflag:s14] =	ssyncadd.s32 $0xFFFFC000  }
0x58: {  	[tilespmem:s25], [sflag:$0x3] =	stream.linear.gather [hbm4b:s11+s25], $0x1400, $0x38;
	[tilespmem:$0x1E400] =	vst v63  }
0x59: {  	_ =	swait.ge [sflag:s14], $0x1400  }
0x5a: {  	[sflag:s14] =	ssyncset.done $0x0  }
0x5b: {  	[sflag:s14] =	ssyncadd.s32 $0xFFFFEC00  }
0x5c: {  	[tilespmem:s15], [sflag:$0x3] =	stream.linear.gather [hbm4b:s12+s25], $0x1400, $0x38;
	[tilespmem:$0x1E400] =	vst v63  }
0x5d: {  	_ =	swait.ge [sflag:s14], $0x1400  }
0x5e: {  	[sflag:s14] =	ssyncset.done $0x0  }
0x5f: {  	[sflag:s14] =	ssyncadd.s32 $0xFFFFEC00  }
0x60: {  	[tilespmem:s17], [sflag:$0x1] =	stream.indirect.gather [hbm4b:s4+s16], $0x80, s25, s16, $0xb8;
	[tilespmem:$0x1E400] =	vst v63  }
0x61: {  	_ =	swait.ge [sflag:s18], $0x4000  }
0x62: {  	[sflag:s18] =	ssyncset.done $0x0  }
0x63: {  	s28 =	simm.s32 $0x80;
	[sflag:s18] =	ssyncadd.s32 $0xFFFFC000  }
0x64: {  	[tilespmem:s19], [sflag:$0x2] =	stream.indirect.gather [hbm4b:s4+s16], $0x80, s28, s16, $0xb8;
	[tilespmem:$0x1E400] =	vst v63  }
0x65: {  	s29 =	simm.s32 $0x1400  }
0x66: {  	[spmem:s1] =	stream.indirect.scatter.add.f32 [tilespmem:s17], [sflag:$0x3], $0x80, s29, s16, $0xb8;
	[tilespmem:$0x1E400] =	vst v63  }
0x67: {  	_ =	swait.ge [sflag:s14], $0x4000  }
0x68: {  	[sflag:s14] =	ssyncset.done $0x0  }
0x69: {  	[sflag:s14] =	ssyncadd.s32 $0xFFFFC000  }
0x6a: {  	_ =	swait.ge [sflag:s20], $0x4000  }
0x6b: {  	[sflag:s20] =	ssyncset.done $0x0  }
0x6c: {  	s30 =	simm.s32 $0x100;
	[sflag:s20] =	ssyncadd.s32 $0xFFFFC000  }
0x6d: {  	[tilespmem:s17], [sflag:$0x1] =	stream.indirect.gather [hbm4b:s4+s16], $0x80, s30, s16, $0xb8;
	[tilespmem:$0x1E400] =	vst v63  }
0x6e: {  	s31 =	simm.s32 $0x1480  }
0x6f: {  	[spmem:s1] =	stream.indirect.scatter.add.f32 [tilespmem:s19], [sflag:$0x3], $0x80, s31, s16, $0xb8;
	[tilespmem:$0x1E400] =	vst v63  }
0x70: {  	_ =	swait.ge [sflag:s14], $0x4000  }
0x71: {  	s25 =	simm.s32 $0x400;
	[sflag:s14] =	ssyncset.done $0x0  }
.LBB2_4:
0x72: {  	p0 =	sne.s32 s25, $0x4800  }
0x73: {  	[sflag:s14] =	ssyncadd.s32 $0xFFFFC000;
	s26 =	smov.u32 s25;
	s25 =	sadd.s32 $0x400, s25  }
0x74: {  	_ = 	snop  }
0x75: {  	_ =	swait.ge [sflag:s18], $0x4000  }
0x76: {  	s26 =	sshra.s32 s26, $0x2;
	[sflag:s18] =	ssyncset.done $0x0  }
0x77: {  	s28 =	sadd.s32 $0x80, s26;
	[sflag:s18] =	ssyncadd.s32 $0xFFFFC000  }
0x78: {  	[tilespmem:s19], [sflag:$0x2] =	stream.indirect.gather [hbm4b:s4+s16], $0x80, s28, s16, $0xb8;
	[tilespmem:$0x1E400] =	vst v63  }
0x79: {  	s28 =	sadd.s32 $0x1400, s26  }
0x7a: {  	[spmem:s1] =	stream.indirect.scatter.add.f32 [tilespmem:s17], [sflag:$0x3], $0x80, s28, s16, $0xb8;
	[tilespmem:$0x1E400] =	vst v63  }
0x7b: {  	_ =	swait.ge [sflag:s14], $0x4000  }
0x7c: {  	[sflag:s14] =	ssyncset.done $0x0  }
0x7d: {  	[sflag:s14] =	ssyncadd.s32 $0xFFFFC000  }
0x7e: {  	_ =	swait.ge [sflag:s20], $0x4000  }
0x7f: {  	[sflag:s20] =	ssyncset.done $0x0  }
0x80: {  	s28 =	sadd.s32 $0x100, s26;
	[sflag:s20] =	ssyncadd.s32 $0xFFFFC000  }
0x81: {  	[tilespmem:s17], [sflag:$0x1] =	stream.indirect.gather [hbm4b:s4+s16], $0x80, s28, s16, $0xb8;
	[tilespmem:$0x1E400] =	vst v63  }
.Ltmp1:
0x82: {  	_ = 	snop;
	(pc) =	sbr.rel @p0 .LBB2_4-.Ltmp1, $4  }
0x83: {  	s26 =	sadd.s32 $0x1480, s26  }
0x84: {  	[spmem:s1] =	stream.indirect.scatter.add.f32 [tilespmem:s19], [sflag:$0x3], $0x80, s26, s16, $0xb8;
	[tilespmem:$0x1E400] =	vst v63  }
0x85: {  	_ =	swait.ge [sflag:s14], $0x4000  }
0x86: {  	[sflag:s14] =	ssyncset.done $0x0  }
0x87: {  	[sflag:s14] =	ssyncadd.s32 $0xFFFFC000  }
0x88: {  	_ =	swait.ge [sflag:s18], $0x4000  }
0x89: {  	[sflag:s18] =	ssyncset.done $0x0  }
0x8a: {  	[sflag:s18] =	ssyncadd.s32 $0xFFFFC000  }
0x8b: {  	[tilespmem:s19], [sflag:$0x2] =	stream.indirect.gather [hbm4b:s4+s16], $0x80, s21, s16, $0xb8;
	[tilespmem:$0x1E400] =	vst v63  }
0x8c: {  	_ = 	snop  }
0x8d: {  	[spmem:s1] =	stream.indirect.scatter.add.f32 [tilespmem:s17], [sflag:$0x3], $0x80, s22, s16, $0xb8;
	[tilespmem:$0x1E400] =	vst v63  }
0x8e: {  	_ =	swait.ge [sflag:s14], $0x4000  }
0x8f: {  	[sflag:s14] =	ssyncset.done $0x0  }
0x90: {  	[sflag:s14] =	ssyncadd.s32 $0xFFFFC000  }
0x91: {  	_ =	swait.ge [sflag:s20], $0x4000  }
0x92: {  	[sflag:s20] =	ssyncset.done $0x0  }
0x93: {  	[sflag:s20] =	ssyncadd.s32 $0xFFFFC000  }
0x94: {  	[spmem:s1] =	stream.indirect.scatter.add.f32 [tilespmem:s19], [sflag:$0x3], $0x80, s23, s16, $0xb8;
	[tilespmem:$0x1E400] =	vst v63  }
0x95: {  	_ =	swait.ge [sflag:s14], $0x4000  }
0x96: {  	s24 =	sadd.s32 $0x1, s24;
	[sflag:s14] =	ssyncset.done $0x0  }
0x97: {  	p0 =	sne.s32 s24, s8;
	[sflag:s14] =	ssyncadd.s32 $0xFFFFC000  }
.Ltmp2:
0x98: {  	[bflag:$0x0] =	sbarrier.arrive $0xFFFF;
	(pc) =	sbr.rel @p0 .LBB2_1-.Ltmp2, $4  }
0x99: {  	[hbm:s7], [sflag:s6] =	dma.local [spmem:s13], $0x2780  }
0x9a: {  	_ =	swait.ge [sflag:s14], $0x2780  }
0x9b: {  	[sflag:s14] =	ssyncset.done $0x0  }
0x9c: {  	[sflag:s14] =	ssyncadd.s32 $0xFFFFD880  }
0x9d: {  	_ =	sfence.sel $0x180000  }
0x9e: {  	[bflag:$0x0] =	sbarrier.arrive $0xFFFF  }
0x9f: {  	p0 =	sne.s32 s2, $0x0;
	_ =	strace $0x9000004D  }
0xa0: {  	s0 =	sadd.s32 @!p0 $0x100000, s0;
	[bflag:$0x2] =	sbarrier.arrive $0xFFFF  }
0xa1: {  	[sflag:s0] =	ssyncadd.tile.s32 @!p0 $0x1;
	_ =	shalt  }
.Lfunc_end2:
_tile_overlayer_lowered:
.L_overlay_start_2:
0xa2: {  	(tag) =	ssettag $0x2  }
0xa3: {  	s0 =	rddreg [dreg:$0x0];
	s2 =	stileid.u32  }
0xa4: {  	s1 =	rddreg [dreg:$0x1];
	p0 =	sne.s32 s2, $0x0  }
0xa5: {  	s3 =	rddreg [dreg:$0x2];
	[bflag:$0x3] =	sbarrier.arrive $0xFFFF;
	s2 =	simm.s32 @!p0 $0x1C03  }
0xa6: {  	[timem:s3], [sflag:s2] =	dma.local @!p0 [hbm:s0], s1  }
0xa7: {  	s0 =	simm.s32 @!p0 $0x3  }
0xa8: {  	_ =	swait.ge @!p0 [sflag:s0], s1  }
0xa9: {  	s1 =	ssub.s32 @!p0 $0x0, s1;
	[sflag:s0] =	ssyncset.done @!p0 $0x0  }
0xaa: {  	[sflag:s0] =	ssyncadd.s32 @!p0 s1  }
0xab: {  	[bflag:$0x3] =	sbarrier.arrive $0xFFFF  }
0xac: {  	_ =	shalt  }

// kernel: kernel.8.cloned.1.call-start
scs
__scs_entry_jumppad:
0x0: {  	(pc) =	sbr.rel $0x88, $3  }
0x1: {  	(tag) =	ssettag $0x0;
	lr =	simm.s32 $0x1  }
0x2: {  	[smem:$0x3F99] =	sst lr;
	_ =	strace $0xD0000000  }
0x3: {  	_ = 	snop  }
0x4: {  	_ = 	snop  }
0x5: {  	_ = 	snop  }
0x6: {  	_ = 	snop  }
0x7: {  	_ = 	snop  }
__scs_overlays_trampoline_lowered:
0x8: {  	[smem:$0x3FA8] =	sst s0  }
0x9: {  	[smem:$0x3FA9] =	sst s1  }
0xa: {  	[smem:$0x3FAA] =	sst s2  }
0xb: {  	[smem:$0x3FAB] =	sst s3  }
0xc: {  	[smem:$0x3FAC] =	sst s4  }
0xd: {  	[smem:$0x3FAD] =	sst s5  }
0xe: {  	[smem:$0x3FAE] =	sst s6  }
0xf: {  	[smem:$0x3FAF] =	sst s7  }
0x10: {  	[smem:$0x3FB0] =	sst s8  }
0x11: {  	[smem:$0x3FB1] =	sst s9;
	s0 =	simm.s32 @!p0 $0x0  }
0x12: {  	s1 =	sld [smem:$0x3F97];
	s0 =	simm.s32 @p0 $0x1  }
0x13: {  	[smem:$0x3FB2] =	sst s0;
	s0 =	simm.s32 @!p1 $0x0  }
0x14: {  	s2 =	sld [smem:$0x3F96];
	s0 =	simm.s32 @p1 $0x1  }
0x15: {  	[smem:$0x3FB3] =	sst s0;
	s0 =	simm.s32 @!p2 $0x0  }
0x16: {  	s3 =	sld [smem:$0x3FDB];
	s0 =	simm.s32 @p2 $0x1  }
0x17: {  	s4 =	simm.s32 $0x1BF5;
	[smem:$0x3FB5] =	sst s0  }
0x18: {  	s0 =	sld [smem:$0x3F98];
	_ =	swait.ge [sflag:s4], $0x0  }
0x19: {  	s7 =	sld [smem:$0x3F99]  }
0x1a: {  	s8 =	sadd.s32 $0xFFFFE003, lr  }
0x1b: {  	s9 =	sadd.s32 $0xFFFFFEF7, lr;
	s5 =	simm.s32 $0xFFFFFFFF;
	p2 =	slt.u32 s8, $0xFFFFF086  }
0x1c: {  	p1 =	slt.u32 s9, $0xF7A;
	s5 =	simm.s32 @!p2 $0x0  }
0x1d: {  	s5 =	simm.s32 @p1 $0x1;
	p0 =	seq.s32 s7, s2  }
0x1e: {  	s7 =	smul.u32 @!p0 $0xF7A, s2;
	p2 =	seq.s32 @!p0 s5, $0x0  }
0x1f: {  	s9 =	smul.u32 $0xF7A, s1;
	s8 =	simm.s32 @!p0 $0x1BF5;
	p2 =	por !p2, p0  }
0x20: {  	[sflag:s8] =	ssyncset.s32 @!p0 $0xFFFFF086;
	s6 =	sadd.s32 @!p0 s3, s7;
	s7 =	simm.s32 @!p0 $0x108  }
0x21: {  	s3 =	sadd.s32 s3, s9;
	s6 =	sadd.s32 @!p0 $0x88, s6;
	s7 =	simm.s32 @p2 $0x1082  }
0x22: {  	[simem:s7], [sflag:s8] =	dma.local @!p0 [hbm:s6], $0xF7A  }
0x23: {  	s9 =	sor.u32 $0xD0000000, s2;
	s6 =	simm.s32 $0x108;
	_ =	swait.ge @!p0 [sflag:s8], $0x0  }
0x24: {  	s3 =	sadd.s32 $0x88, s3;
	s6 =	simm.s32 @!p1 $0x1082;
	[sflag:s4] =	ssyncset.s32 $0xFFFFF086  }
0x25: {  	[simem:s6], [sflag:s4] =	dma.local [hbm:s3], $0xF7A  }
0x26: {  	[smem:$0x3F99] =	sst s1;
	(tag) =	ssettag s2;
	_ =	strace s9  }
0x27: {  	s1 =	sld [smem:$0x3FA9]  }
0x28: {  	s2 =	sld [smem:$0x3FAA]  }
0x29: {  	s4 =	sld [smem:$0x3FAC]  }
0x2a: {  	p0 =	seq.s32 s5, $0x0;
	s5 =	sld [smem:$0x3FAD]  }
0x2b: {  	s6 =	sld [smem:$0x3FAE]  }
0x2c: {  	s7 =	sld [smem:$0x3FAF]  }
0x2d: {  	s3 =	simm.s32 $0x108;
	s8 =	sld [smem:$0x3FB0]  }
0x2e: {  	s3 =	simm.s32 @!p0 $0x1082;
	s9 =	sld [smem:$0x3FB1]  }
0x2f: {  	lr =	sadd.s32 s0, s3;
	s0 =	sld [smem:$0x3FA8]  }
0x30: {  	s3 =	sld [smem:$0x3FAB]  }
0x31: {  	[smem:$0x3FB4] =	sst s10  }
0x32: {  	s10 =	sld [smem:$0x3FB2];
	_ =	sdelay $0x3  }
0x33: {  	p0 =	seq.s32 s10, $0x1;
	s10 =	sld [smem:$0x3FB4];
	_ =	sdelay $0x3  }
0x34: {  	[smem:$0x3FB4] =	sst s10  }
0x35: {  	s10 =	sld [smem:$0x3FB3];
	_ =	sdelay $0x3  }
0x36: {  	p1 =	seq.s32 s10, $0x1;
	s10 =	sld [smem:$0x3FB4];
	_ =	sdelay $0x3  }
0x37: {  	[smem:$0x3FB4] =	sst s10  }
0x38: {  	s10 =	sld [smem:$0x3FB5]  }
0x39: {  	_ = 	snop;
	(pc) =	sbr.ind lr, $3  }
0x3a: {  	_ = 	snop  }
0x3b: {  	_ = 	snop  }
0x3c: {  	p2 =	seq.s32 s10, $0x1;
	s10 =	sld [smem:$0x3FB4]  }
0x3d: {  	_ =	shalt  }
0x3e: {  	_ =	shalt  }
0x3f: {  	_ =	shalt  }
0x40: {  	_ =	shalt  }
0x41: {  	_ =	shalt  }
0x42: {  	_ =	shalt  }
0x43: {  	_ =	shalt  }
0x44: {  	_ =	shalt  }
0x45: {  	_ =	shalt  }
0x46: {  	_ =	shalt  }
0x47: {  	_ =	shalt  }
0x48: {  	_ =	shalt  }
0x49: {  	_ =	shalt  }
0x4a: {  	_ =	shalt  }
0x4b: {  	_ =	shalt  }
0x4c: {  	_ =	shalt  }
0x4d: {  	_ =	shalt  }
0x4e: {  	_ =	shalt  }
0x4f: {  	_ =	shalt  }
0x50: {  	_ =	shalt  }
0x51: {  	_ =	shalt  }
0x52: {  	_ =	shalt  }
0x53: {  	_ =	shalt  }
0x54: {  	_ =	shalt  }
0x55: {  	_ =	shalt  }
0x56: {  	_ =	shalt  }
0x57: {  	_ =	shalt  }
0x58: {  	_ =	shalt  }
0x59: {  	_ =	shalt  }
0x5a: {  	_ =	shalt  }
0x5b: {  	_ =	shalt  }
0x5c: {  	_ =	shalt  }
0x5d: {  	_ =	shalt  }
0x5e: {  	_ =	shalt  }
0x5f: {  	_ =	shalt  }
0x60: {  	_ =	shalt  }
0x61: {  	_ =	shalt  }
0x62: {  	_ =	shalt  }
0x63: {  	_ =	shalt  }
0x64: {  	_ =	shalt  }
0x65: {  	_ =	shalt  }
0x66: {  	_ =	shalt  }
0x67: {  	_ =	shalt  }
0x68: {  	_ =	shalt  }
0x69: {  	_ =	shalt  }
0x6a: {  	_ =	shalt  }
0x6b: {  	_ =	shalt  }
0x6c: {  	_ =	shalt  }
0x6d: {  	_ =	shalt  }
0x6e: {  	_ =	shalt  }
0x6f: {  	_ =	shalt  }
0x70: {  	_ =	shalt  }
0x71: {  	_ =	shalt  }
0x72: {  	_ =	shalt  }
0x73: {  	_ =	shalt  }
0x74: {  	_ =	shalt  }
0x75: {  	_ =	shalt  }
0x76: {  	_ =	shalt  }
0x77: {  	_ =	shalt  }
0x78: {  	_ =	shalt  }
0x79: {  	_ =	shalt  }
0x7a: {  	_ =	shalt  }
0x7b: {  	_ =	shalt  }
0x7c: {  	_ =	shalt  }
0x7d: {  	_ =	shalt  }
0x7e: {  	_ =	shalt  }
0x7f: {  	_ =	shalt  }
0x80: {  	_ =	shalt  }
0x81: {  	_ =	shalt  }
0x82: {  	_ =	shalt  }
0x83: {  	_ =	shalt  }
0x84: {  	_ =	shalt  }
0x85: {  	_ =	shalt  }
0x86: {  	_ =	shalt  }
0x87: {  	_ =	shalt  }
.Lfunc_end0:
.L_simem_size_0:
called_computation_lowered:
.L_overlay_start_0:
0x88: {  	s2 =	sld [smem:$0x3FD9]  }
0x89: {  	s3 =	sld [smem:$0x3FFE];
	_ =	sdelay $0x1  }
0x8a: {  	s1 =	srdreg.scid  }
0x8b: {  	s0 =	sand.u32 $0x1, s1  }
0x8c: {  	s17 =	sshll.u32 s0, $0xA;
	s2 =	sadd.s32 s3, s2  }
0x8d: {  	s2 =	sadd.s32 s2, s17  }
0x8e: {  	[smem:$0x3FC0] =	sst s2  }
0x8f: {  	_ = 	snop  }
0x90: {  	(tm) =	ssettm $0x1  }
0x91: {  	s18 =	sld [smem:$0x3FFB];
	_ =	sdelay $0x3  }
0x92: {  	_ =	strace s18  }
0x93: {  	s2 =	sld [smem:$0x3FFC];
	_ =	sdelay $0x3  }
0x94: {  	_ =	strace s2  }
0x95: {  	s2 =	sld [smem:$0x3FFD];
	_ =	sdelay $0x3  }
0x96: {  	_ =	strace s2  }
0x97: {  	_ =	strace $0x8FFFFFFF  }
0x98: {  	s19 =	sld [smem:$0x3FDB];
	_ =	sdelay $0x1  }
0x99: {  	s20 =	simm.s32 $_scs_section_size  }
0x9a: {  	s4 =	simm.s32 $_size__tile_overlayer_lowered;
	s5 =	simm.s32 $_tile_overlayer_lowered  }
0x9b: {  	s6 =	simm.s32 $0x1BFF;
	s21 =	sshll.u32 s5, $0x1;
	s3 =	sadd.s32 s20, s19  }
0x9c: {  	s22 =	simm.s32 $0x0;
	s4 =	sshll.u32 s4, $0x1;
	s5 =	sadd.s32 s21, s3  }
0x9d: {  	[timem:s22], [sflag:s6] =	dma.local [hbm:s5], s4  }
0x9e: {  	_ =	swait.ge [sflag:s6], s4  }
0x9f: {  	s4 =	ssub.s32 $0x0, s4;
	[sflag:s6] =	ssyncset.done $0x0  }
0xa0: {  	[sflag:s6] =	ssyncadd.s32 s4;
	_ =	sdelay $0x1  }
0xa1: {  	s23 =	simm.s32 $0x1B8B  }
0xa2: {  	_ =	swait.ge [sflag:s23], $0x1  }
0xa3: {  	[sflag:s23] =	ssyncset.done $0x0  }
0xa4: {  	[sflag:s23] =	ssyncadd.s32 $0xFFFFFFFF  }
0xa5: {  	s4 =	sld [smem:$0x0]  }
0xa6: {  	s5 =	sand.u32 $0xFFFFFFFE, s1  }
0xa7: {  	p0 =	sne.s32 s1, s5  }
0xa8: {  	s5 =	sshll.u32 @p0 s5, $0xE  }
0xa9: {  	s5 =	sadd.s32 @p0 $0x11B8D, s5;
	s6 =	sshll.u32 @p0 s4, $0x11  }
0xaa: {  	s5 =	sor.u32 @p0 s6, s5  }
0xab: {  	[sflag:s5] =	ssyncadd.remote.s32 @p0 $0x1;
	_ =	sdelay $0x1  }
0xac: {  	s5 =	simm.s32 @p0 $0x1B8D  }
0xad: {  	_ =	swait.eq @p0 [sflag:s5], $0x1  }
0xae: {  	[sflag:s5] =	ssyncadd.s32 @p0 $0xFFFFFFFF  }
0xaf: {  	s6 =	sshll.u32 @!p0 s1, $0xE  }
0xb0: {  	s6 =	sor.u32 @!p0 $0x4000, s6;
	s5 =	simm.s32 @!p0 $0x1B8D  }
0xb1: {  	s4 =	sshll.u32 @!p0 s4, $0x11;
	s6 =	sadd.s32 @!p0 $0x11B8D, s6;
	_ =	swait.eq @!p0 [sflag:s5], $0x1  }
0xb2: {  	s4 =	sor.u32 @!p0 s4, s6;
	[sflag:s5] =	ssyncadd.s32 @!p0 $0xFFFFFFFF  }
0xb3: {  	s25 =	simm.s32 $0x1B8E;
	s24 =	sld [smem:$0x3FFE];
	[sflag:s4] =	ssyncadd.remote.s32 @!p0 $0x1  }
0xb4: {  	s26 =	simm.s32 $execute0_lowered;
	[smem:$0x3FD2] =	sst s25  }
0xb5: {  	s5 =	sshll.u32 s26, $0x1;
	_ =	strace $0x80000049;
	[dreg:$0x1] =	wrdreg $0xFFFFFFFF  }
0xb6: {  	s28 =	simm.s32 $_size_execute0_lowered;
	s3 =	sadd.s32 s3, s5;
	[dreg:$0x0] =	wrdreg $0x0  }
0xb7: {  	s5 =	sshll.u32 s28, $0x1;
	[dreg:$0x2] =	wrdreg s3  }
0xb8: {  	[dreg:$0x3] =	wrdreg s5  }
0xb9: {  	[dreg:$0x4] =	wrdreg $0xC0  }
0xba: {  	_ =	task [dreg:s22], $0x5FFFF  }
0xbb: {  	[dreg:$0x1] =	wrdreg $0xFFFFFFFF  }
0xbc: {  	[dreg:$0x0] =	wrdreg $0x60  }
0xbd: {  	[dreg:$0x2] =	wrdreg s24  }
0xbe: {  	[dreg:$0x3] =	wrdreg $0x68000  }
0xbf: {  	[dreg:$0x4] =	wrdreg $0x9  }
0xc0: {  	_ =	task.clear_ibuf [dreg:s22], $0x5FFFF;
	_ =	strace $0x90000049  }
0xc1: {  	s29 =	simm.s32 $0x9;
	_ =	strace $0x8000004B  }
0xc2: {  	_ =	swait.ge [sflag:s29], $0x1  }
0xc3: {  	[sflag:s29] =	ssyncadd.s32 $0xFFFFFFFF  }
0xc4: {  	_ =	strace $0x9000004B  }
0xc5: {  	_ =	sfence  }
0xc6: {  	s30 =	sld [smem:$0x0];
	_ =	sdelay $0x2  }
0xc7: {  	s31 =	sshll.u32 s1, $0xD;
	s1 =	sshrl.u32 s1, $0x2  }
0xc8: {  	s4 =	sand.u32 $0x4000, s31;
	s1 =	sadd.s32 s1, s30  }
0xc9: {  	s0 =	sor.u32 s4, s0;
	s1 =	sshll.u32 s1, $0x11  }
0xca: {  	s0 =	sor.u32 s1, s0  }
0xcb: {  	s0 =	sadd.s32 $0x8F2B, s0  }
0xcc: {  	[sflag:s0] =	ssyncadd.remote.s32 $0x1  }
0xcd: {  	_ =	sfence.sel $0xFFFF  }
0xce: {  	[dreg:$0x0] =	wrdreg $0xFFFFFFFF;
	(pc) =	sbr.abs _section_cstart, $3  }
0xcf: {  	[dreg:$0x1] =	wrdreg $0xFFFFFFFF  }
0xd0: {  	_ =	task.clear_ibuf [dreg:s22], $0x2FFFF;
	_ =	strace $0x9FFFFFFF  }
0xd1: {  	(tm) =	ssettm $0x7FFFFFFF  }
tec
execute0_lowered:
.L_overlay_start_1:
0x0: {  	(tag) =	ssettag $0x1  }
0x1: {  	s1 =	srdreg.scid;
	s7 =	rddreg [dreg:$0x0]  }
0x2: {  	s0 =	stileid.u32;
	s2 =	rddreg [dreg:$0x1]  }
0x3: {  	s3 =	simm.s32 $0x0;
	s13 =	simm.s32 $0x80;
	s14 =	simm.s32 $0x1  }
0x4: {  	s15 =	simm.s32 $0x0;
	s6 =	sand.u32 $0x1, s1;
	s8 =	smul.u32 $0x13C00, s0  }
0x5: {  	s30 =	sshll.u32 s0, $0x1;
	[smem:$0x7FF] =	sst s3;
	s10 =	smul.u32 $0x4F000, s0  }
0x6: {  	s11 =	sshll.u32 s0, $0x6;
	s1 =	sor.u32 s6, s30;
	s5 =	smul.u32 $0x13C000, s6  }
0x7: {  	s6 =	ssub.s32 $0x2, s6;
	s4 =	smul.u32 $0x500, s1;
	s1 =	rddreg [dreg:$0x2]  }
0x8: {  	_ =	strace $0x8000004A;
	s31 =	sshrl.u32 s6, $0x1;
	s10 =	sshrl.u32 s10, $0x2  }
0x9: {  	s5 =	sadd.s32 s8, s5;
	s12 =	ssub.s32 s6, s31;
	s10 =	sadd.s32 s10, s2  }
0xa: {  	s6 =	sor.u32 $0x1C02, s11;
	s11 =	simm.s32 $0x2;
	s9 =	sadd.s32 s4, s7  }
0xb: {  	s4 =	sadd.s32 $0x85600, s7;
	s8 =	sshrl.u32 s5, $0x3;
	s5 =	sadd.s32 $0x33E00, s7  }
0xc: {  	s10 =	sshrl.u32 s10, $0x3;
	s8 =	sadd.s32 s8, s7;
	s7 =	sadd.s32 $0x29E00, s9  }
0xd: {  	s9 =	smax.u32 s12, $0x1;
	s12 =	simm.s32 $0x2800;
	s8 =	sadd.s32 $0x85E00, s8  }
.LBB2_1:
0xe: {  	[spmem:s10], [sflag:s6] =	dma.local [hbm:s5], $0x2780  }
0xf: {  	_ =	swait.ge [sflag:s11], $0x2780  }
0x10: {  	[sflag:s11] =	ssyncset.done $0x0  }
0x11: {  	[sflag:s11] =	ssyncadd.s32 $0xFFFFD880  }
0x12: {  	[tilespmem:s12], [sflag:$0x2] =	stream.linear.gather [hbm4b:s4+s3], $0x4000, $0x38;
	[tilespmem:$0x1A400] =	vst v63  }
0x13: {  	_ =	swait.ge [sflag:s11], $0x4000  }
0x14: {  	[sflag:s11] =	ssyncset.done $0x0  }
0x15: {  	[sflag:s11] =	ssyncadd.s32 $0xFFFFC000  }
0x16: {  	[tilespmem:s3], [sflag:$0x2] =	stream.linear.gather [hbm4b:s7+s3], $0x2800, $0x38;
	[tilespmem:$0x1A400] =	vst v63  }
0x17: {  	_ =	swait.ge [sflag:s11], $0x2800  }
0x18: {  	[sflag:s11] =	ssyncset.done $0x0  }
0x19: {  	[sflag:s11] =	ssyncadd.s32 $0xFFFFD800  }
0x1a: {  	s16 =	simm.s32 $0x0;
	[bflag:$0x0] =	sbarrier.arrive $0xFFFF  }
.LBB2_2:
0x1b: {  	p0 =	sne.s32 s16, $0x9E00  }
.Ltmp0:
0x1c: {  	_ = 	snop;
	(pc) =	sbr.rel @p0 .LBB2_2-.Ltmp0, $3  }
0x1d: {  	_ =	sdelay $0x1  }
0x1e: {  	s17 =	sshra.s32 s16, $0x2;
	s16 =	sadd.s32 $0x200, s16  }
0x1f: {  	[spmem:s2] =	stream.indirect.scatter.add.f32 [tilespmem:s12], [sflag:$0x1], $0x80, s17, s13, $0xb8;
	[tilespmem:$0x1A400] =	vst v63  }
0x20: {  	_ =	swait.ge [sflag:s14], $0x4000  }
0x21: {  	s16 =	simm.s32 $0x4F;
	[sflag:s14] =	ssyncset.done $0x0  }
.LBB2_4:
0x22: {  	p0 =	sne.s32 s16, $0x1;
	s16 =	sadd.s32 $0xFFFFFFFF, s16;
	[sflag:s14] =	ssyncadd.s32 $0xFFFFC000  }
.Ltmp1:
0x23: {  	(pc) =	sbr.rel @p0 .LBB2_4-.Ltmp1, $3  }
0x24: {  	_ =	sdelay $0x1  }
0x25: {  	_ =	swait.ge [sflag:s14], $0x4000  }
0x26: {  	[sflag:s14] =	ssyncset.done $0x0  }
0x27: {  	s15 =	sadd.s32 $0x1, s15  }
0x28: {  	[sflag:s14] =	ssyncadd.s32 $0xFFFFC000;
	p0 =	sne.s32 s15, s9  }
.Ltmp2:
0x29: {  	[bflag:$0x0] =	sbarrier.arrive $0xFFFF;
	(pc) =	sbr.rel @p0 .LBB2_1-.Ltmp2, $4  }
0x2a: {  	[hbm:s8], [sflag:s6] =	dma.local [spmem:s10], $0x2780  }
0x2b: {  	_ =	swait.ge [sflag:s11], $0x2780  }
0x2c: {  	[sflag:s11] =	ssyncset.done $0x0  }
0x2d: {  	[sflag:s11] =	ssyncadd.s32 $0xFFFFD880  }
0x2e: {  	_ =	sfence.sel $0x180000  }
0x2f: {  	[bflag:$0x0] =	sbarrier.arrive $0xFFFF  }
0x30: {  	p0 =	sne.s32 s0, $0x0;
	_ =	strace $0x9000004A  }
0x31: {  	s0 =	sadd.s32 @!p0 $0x100000, s1;
	[bflag:$0x2] =	sbarrier.arrive $0xFFFF  }
0x32: {  	[sflag:s0] =	ssyncadd.tile.s32 @!p0 $0x1;
	_ =	shalt  }
.Lfunc_end2:
_tile_overlayer_lowered:
.L_overlay_start_2:
0x33: {  	(tag) =	ssettag $0x2  }
0x34: {  	s0 =	rddreg [dreg:$0x0];
	s2 =	stileid.u32  }
0x35: {  	s1 =	rddreg [dreg:$0x1];
	p0 =	sne.s32 s2, $0x0  }
0x36: {  	s3 =	rddreg [dreg:$0x2];
	[bflag:$0x3] =	sbarrier.arrive $0xFFFF;
	s2 =	simm.s32 @!p0 $0x1C02  }
0x37: {  	[timem:s3], [sflag:s2] =	dma.local @!p0 [hbm:s0], s1  }
0x38: {  	s0 =	simm.s32 @!p0 $0x2  }
0x39: {  	_ =	swait.ge @!p0 [sflag:s0], s1  }
0x3a: {  	s1 =	ssub.s32 @!p0 $0x0, s1;
	[sflag:s0] =	ssyncset.done @!p0 $0x0  }
0x3b: {  	[sflag:s0] =	ssyncadd.s32 @!p0 s1  }
0x3c: {  	[bflag:$0x3] =	sbarrier.arrive $0xFFFF  }
0x3d: {  	_ =	shalt  }

</sc_bundles>
